<compile_context>
chip_gen: v7x
topology: tpu7x:2x2x1
jax: 0.10.2.dev20260603
libtpu: 0.0.44.dev20260713+nightly
codegen_flags: <defaults>
</compile_context>

<pallas_src>
import jax
import jax.numpy as jnp
from jax import lax
from jax.experimental import pallas as pl
from jax.experimental.pallas import tpu as pltpu
from jax.experimental.pallas import tpu_sc as plsc

N = 2048
D = 768
H = 3072
E = 8
BR = 256
MAXB = 24
MAXR = MAXB * BR
BH = 1536
NH = H // BH
NC = 2
NS = 16
NW = NC * NS
ACH = 2 * N // NW
TCH = N // NW
_INV_SQRT2 = 0.7071067811865476


def _routing_body(x_ref, gw_ref, gb_ref, p_ref, ws_ref, be_ref):
    x = x_ref[...]
    g = jnp.dot(x, gw_ref[...], preferred_element_type=jnp.float32) + gb_ref[...]
    iota8 = lax.broadcasted_iota(jnp.int32, (N, E), 1)
    m1 = jnp.max(g, axis=1, keepdims=True)
    i1 = jnp.min(jnp.where(g == m1, iota8, E), axis=1, keepdims=True)
    g2 = jnp.where(iota8 == i1, -jnp.inf, g)
    m2 = jnp.max(g2, axis=1, keepdims=True)
    i2 = jnp.min(jnp.where(g2 == m2, iota8, E), axis=1, keepdims=True)
    t = jnp.exp(m2 - m1)
    ws1 = 1.0 / (1.0 + t)
    ws2 = t / (1.0 + t)
    a = jnp.concatenate([i1, i2], axis=0)
    oh = (a == lax.broadcasted_iota(jnp.int32, (2 * N, E), 1)).astype(jnp.int32)
    C = oh
    k = 1
    while k < 2 * N:
        C = C + jnp.concatenate([jnp.zeros((k, E), jnp.int32), C[: 2 * N - k]], axis=0)
        k *= 2
    counts = C[2 * N - 1 : 2 * N, :]
    nblk = (counts + BR - 1) // BR
    tri = (lax.broadcasted_iota(jnp.int32, (E, E), 0)
           <= lax.broadcasted_iota(jnp.int32, (E, E), 1)).astype(jnp.float32)
    ends = jnp.dot(nblk.astype(jnp.float32), tri,
                   preferred_element_type=jnp.float32).astype(jnp.int32)
    starts = ends - nblk
    rowstart = starts * BR
    rank = jnp.sum(C * oh, axis=1, keepdims=True) - 1
    pstart = jnp.sum(oh * rowstart, axis=1, keepdims=True)
    p_ref[...] = pstart + rank
    ws_ref[...] = jnp.concatenate([ws1, ws2], axis=0)
    j32 = lax.broadcasted_iota(jnp.int32, (32, E), 0)
    be_ref[...] = jnp.sum((j32 >= ends).astype(jnp.int32), axis=1, keepdims=True)


def _routing(x2, gate_w, gate_b2):
    return pl.pallas_call(
        _routing_body,
        out_shape=[
            jax.ShapeDtypeStruct((2 * N, 1), jnp.int32),
            jax.ShapeDtypeStruct((2 * N, 1), jnp.float32),
            jax.ShapeDtypeStruct((32, 1), jnp.int32),
        ],
    )(x2, gate_w, gate_b2)


def _dispatch_body(x_hbm, p_hbm, xs_hbm, idx_v, rows_v, sem_s, sem_g):
    wid = lax.axis_index("s") * NC + lax.axis_index("c")
    base = wid * ACH
    tok = lax.rem(base, N)
    pltpu.sync_copy(p_hbm.at[pl.ds(base, ACH)], idx_v)
    pltpu.async_copy(x_hbm.at[pl.ds(tok, ACH)], rows_v, sem_g).wait()
    pltpu.async_copy(rows_v, xs_hbm.at[idx_v], sem_s).wait()


def _dispatch(x2, p):
    call = pl.kernel(
        _dispatch_body,
        out_type=jax.ShapeDtypeStruct((MAXR, D), jnp.float32),
        mesh=plsc.VectorSubcoreMesh(core_axis_name="c", subcore_axis_name="s",
                                    num_cores=NC, num_subcores=NS),
        scratch_types=[
            pltpu.VMEM((ACH,), jnp.int32),
            pltpu.VMEM((ACH, D), jnp.float32),
            pltpu.SemaphoreType.DMA,
            pltpu.SemaphoreType.DMA,
        ],
    )
    return call(x2, p)


def _ffn_body(be_ref, xs_ref, w1_ref, b1_ref, w2_ref, b2_ref, ys_ref):
    r = pl.program_id(0)
    h = pl.program_id(1)

    @pl.when(be_ref[r] < E)
    def _():
        xb = xs_ref[...]
        hpre = jnp.dot(xb, w1_ref[0], preferred_element_type=jnp.float32) + b1_ref[0]
        hact = 0.5 * hpre * (1.0 + lax.erf(hpre * _INV_SQRT2))
        part = jnp.dot(hact, w2_ref[0], preferred_element_type=jnp.float32)

        @pl.when(h == 0)
        def _():
            ys_ref[...] = part

        @pl.when(h == NH - 1)
        def _():
            ys_ref[...] = ys_ref[...] + part + b2_ref[0]


def _ffn(be, xs, w1, b1, w2, b2):
    def we1(r, h, be_ref):
        return (jnp.minimum(be_ref[r], E - 1), 0, h)

    def we2(r, h, be_ref):
        return (jnp.minimum(be_ref[r], E - 1), h, 0)

    def wb1(r, h, be_ref):
        return (jnp.minimum(be_ref[r], E - 1), 0, h)

    def wb2(r, h, be_ref):
        return (jnp.minimum(be_ref[r], E - 1), 0, 0)

    grid_spec = pltpu.PrefetchScalarGridSpec(
        num_scalar_prefetch=1,
        grid=(MAXB, NH),
        in_specs=[
            pl.BlockSpec((BR, D), lambda r, h, be_ref: (r, 0)),
            pl.BlockSpec((1, D, BH), we1),
            pl.BlockSpec((1, 1, BH), wb1),
            pl.BlockSpec((1, BH, D), we2),
            pl.BlockSpec((1, 1, D), wb2),
        ],
        out_specs=pl.BlockSpec((BR, D), lambda r, h, be_ref: (r, 0)),
    )
    return pl.pallas_call(
        _ffn_body,
        grid_spec=grid_spec,
        out_shape=jax.ShapeDtypeStruct((MAXR, D), jnp.float32),
        compiler_params=pltpu.CompilerParams(
            dimension_semantics=("arbitrary", "arbitrary")),
    )(be, xs, w1, b1, w2, b2)


def _gather_body(ys_hbm, p_hbm, a_hbm, b_hbm, i1_v, i2_v, a_v, b_v, sa, sb):
    wid = lax.axis_index("s") * NC + lax.axis_index("c")
    base = wid * TCH
    pltpu.sync_copy(p_hbm.at[pl.ds(base, TCH)], i1_v)
    pltpu.sync_copy(p_hbm.at[pl.ds(N + base, TCH)], i2_v)
    da = pltpu.async_copy(ys_hbm.at[i1_v], a_v, sa)
    db = pltpu.async_copy(ys_hbm.at[i2_v], b_v, sb)
    da.wait()
    db.wait()
    pltpu.sync_copy(a_v, a_hbm.at[pl.ds(base, TCH)])
    pltpu.sync_copy(b_v, b_hbm.at[pl.ds(base, TCH)])


def _gather2(ys, p):
    call = pl.kernel(
        _gather_body,
        out_type=[
            jax.ShapeDtypeStruct((N, D), jnp.float32),
            jax.ShapeDtypeStruct((N, D), jnp.float32),
        ],
        mesh=plsc.VectorSubcoreMesh(core_axis_name="c", subcore_axis_name="s",
                                    num_cores=NC, num_subcores=NS),
        scratch_types=[
            pltpu.VMEM((TCH,), jnp.int32),
            pltpu.VMEM((TCH,), jnp.int32),
            pltpu.VMEM((TCH, D), jnp.float32),
            pltpu.VMEM((TCH, D), jnp.float32),
            pltpu.SemaphoreType.DMA,
            pltpu.SemaphoreType.DMA,
        ],
    )
    return call(ys, p)


def _combine_body(a_ref, b_ref, ws_ref, out_ref):
    out_ref[...] = (a_ref[...] * ws_ref[:, 0:1] + b_ref[...] * ws_ref[:, 1:2])


def _combine(a, b, ws):
    return pl.pallas_call(
        _combine_body,
        grid=(N // BR,),
        in_specs=[
            pl.BlockSpec((BR, D), lambda r: (r, 0)),
            pl.BlockSpec((BR, D), lambda r: (r, 0)),
            pl.BlockSpec((BR, 2), lambda r: (r, 0)),
        ],
        out_specs=pl.BlockSpec((BR, D), lambda r: (r, 0)),
        out_shape=jax.ShapeDtypeStruct((N, D), jnp.float32),
    )(a, b, ws)


def kernel(x, gate_w, gate_b, w1, b1, w2, b2):
    x2 = x.reshape(N, D)
    p, ws, be = _routing(x2, gate_w, gate_b.reshape(1, E))
    p = p.reshape(2 * N)
    ws2c = ws.reshape(2, N).T
    xs = _dispatch(x2, p)
    ys = _ffn(be.reshape(32), xs, w1, b1.reshape(E, 1, H), w2,
              b2.reshape(E, 1, D))
    a, b = _gather2(ys, p)
    out = _combine(a, b, ws2c)
    return out.reshape(1, N, D)

# --- scband reference (transcript-rebuilt; emitter-appended) ---
"""Pipeline reference for scband-grpomixture-of-experts-70403103916702 (READ-ONLY COPY).

The authoritative reference and input builder live on the scoring server;
editing this copy changes nothing except your own understanding.
"""

import jax, jax.numpy as jnp
import numpy as np

D_MODEL = 768
HIDDEN = 3072
N_EXPERTS = 8
TOP_K = 2


def setup_inputs(seed: int = 0) -> dict:
    key = jax.random.key(seed)
    ks = jax.random.split(key, 8)
    x = jax.random.normal(ks[0], (1, 2048, D_MODEL), dtype=jnp.float32)
    gate_w = jax.random.normal(ks[1], (D_MODEL, N_EXPERTS), dtype=jnp.float32) / np.sqrt(D_MODEL)
    gate_b = jnp.zeros((N_EXPERTS,), dtype=jnp.float32)
    w1 = jax.random.normal(ks[2], (N_EXPERTS, D_MODEL, HIDDEN), dtype=jnp.float32) / np.sqrt(D_MODEL)
    b1 = jnp.zeros((N_EXPERTS, HIDDEN), dtype=jnp.float32)
    w2 = jax.random.normal(ks[3], (N_EXPERTS, HIDDEN, D_MODEL), dtype=jnp.float32) / np.sqrt(HIDDEN)
    b2 = jnp.zeros((N_EXPERTS, D_MODEL), dtype=jnp.float32)
    return {"x": x, "gate_w": gate_w, "gate_b": gate_b, "w1": w1, "b1": b1, "w2": w2, "b2": b2}


def reference(x, gate_w, gate_b, w1, b1, w2, b2):
    B, S, d = x.shape
    xf = x.reshape(-1, d)
    N = xf.shape[0]
    gates = xf @ gate_w + gate_b
    gate_scores, expert_indices = jax.lax.top_k(gates, TOP_K)
    gate_scores = jax.nn.softmax(gate_scores, axis=-1)
    # Dense expert computation (dropout is identity at inference), then
    # gather the per-token top-k expert outputs and combine with gate weights.
    hidden = jax.nn.gelu(jnp.einsum('nd,edh->enh', xf, w1) + b1[:, None, :], approximate=False)
    expert_out = jnp.einsum('enh,ehd->end', hidden, w2) + b2[:, None, :]  # [E, N, d]
    combined = jnp.zeros_like(xf)
    token_ids = jnp.arange(N)
    for i in range(TOP_K):
        idx = expert_indices[:, i]
        out_i = expert_out[idx, token_ids, :]
        combined = combined + gate_scores[:, i:i + 1] * out_i
    return combined.reshape(B, S, d)

if __name__ == "__main__":
    import jax
    _d = setup_inputs()
    print(jax.jit(kernel)(*tuple(_d.values())))

</pallas_src>

<mosaic_0001>
#map = affine_map<(d0, d1) -> (0, 0)>
#map1 = affine_map<(d0, d1) -> (0)>
module attributes {stable_mosaic.version = 14 : i64} {
  func.func @_gather_body(%arg0: i32, %arg1: i32, %arg2: memref<6144x768xf32, #tpu.memory_space<hbm>>, %arg3: memref<4096xi32, #tpu.memory_space<hbm>>, %arg4: memref<2048x768xf32, #tpu.memory_space<hbm>>, %arg5: memref<2048x768xf32, #tpu.memory_space<hbm>>, %arg6: memref<64xi32, #tpu.memory_space<vmem>>, %arg7: memref<64xi32, #tpu.memory_space<vmem>>, %arg8: memref<64x768xf32, #tpu.memory_space<vmem>>, %arg9: memref<64x768xf32, #tpu.memory_space<vmem>>, %arg10: memref<!tpu.dma_semaphore, #tpu.memory_space<semaphore_mem>>, %arg11: memref<!tpu.dma_semaphore, #tpu.memory_space<semaphore_mem>>) attributes {dimension_semantics = [#tpu.dimension_semantics<core_parallel>, #tpu.dimension_semantics<subcore_parallel>], iteration_bounds = array<i64: 2, 16>, scalar_prefetch = 0 : i64, scratch_operands = 6 : i64, tpu.core_type = #tpu.core_type<sc_vector_subcore>, window_params = [{transform_indices = #map}, {transform_indices = #map1}, {transform_indices = #map}, {transform_indices = #map}]} {
    %mul3A = arith.constant 2 : i32
    %mul3A_0 = arith.muli %arg1, %mul3A : i32
    %add3A = arith.addi %mul3A_0, %arg0 : i32
    %mul3A_1 = arith.constant 64 : i32
    %mul3A_2 = arith.muli %add3A, %mul3A_1 : i32
    "tpu.region"() ({
      %run_scoped3A = tpu.sem_alloc : memref<!tpu.dma_semaphore, #tpu.memory_space<semaphore_mem>>
      %dma_start3A_15 = tpu.memref_slice %arg3[%mul3A_2] : memref<4096xi32, #tpu.memory_space<hbm>> -> memref<64xi32, #tpu.memory_space<hbm>>
      %dma_start3A_16 = tpu.memref_slice %arg3[%mul3A_2] : memref<4096xi32, #tpu.memory_space<hbm>> -> memref<64xi32, #tpu.memory_space<hbm>>
      tpu.enqueue_dma source(%dma_start3A_16 : memref<64xi32, #tpu.memory_space<hbm>>) target(%arg6 : memref<64xi32, #tpu.memory_space<vmem>>) target_semaphore(%run_scoped3A : memref<!tpu.dma_semaphore, #tpu.memory_space<semaphore_mem>>)
      %dma_wait3A_17 = tpu.memref_slice %arg3[%mul3A_2] : memref<4096xi32, #tpu.memory_space<hbm>> -> memref<64xi32, #tpu.memory_space<hbm>>
      %dma_wait3A_18 = tpu.memref_slice %arg3[%mul3A_2] : memref<4096xi32, #tpu.memory_space<hbm>> -> memref<64xi32, #tpu.memory_space<hbm>>
      tpu.wait_dma2 semaphore(%run_scoped3A : memref<!tpu.dma_semaphore, #tpu.memory_space<semaphore_mem>>) src(%dma_wait3A_18 : memref<64xi32, #tpu.memory_space<hbm>>) dst(%arg6 : memref<64xi32, #tpu.memory_space<vmem>>)
      tpu.yield
    }) : () -> ()
    %add3A_3 = arith.constant 2048 : i32
    %add3A_4 = arith.addi %add3A_3, %mul3A_2 : i32
    "tpu.region"() ({
      %run_scoped3A = tpu.sem_alloc : memref<!tpu.dma_semaphore, #tpu.memory_space<semaphore_mem>>
      %dma_start3A_15 = tpu.memref_slice %arg3[%add3A_4] : memref<4096xi32, #tpu.memory_space<hbm>> -> memref<64xi32, #tpu.memory_space<hbm>>
      %dma_start3A_16 = tpu.memref_slice %arg3[%add3A_4] : memref<4096xi32, #tpu.memory_space<hbm>> -> memref<64xi32, #tpu.memory_space<hbm>>
      tpu.enqueue_dma source(%dma_start3A_16 : memref<64xi32, #tpu.memory_space<hbm>>) target(%arg7 : memref<64xi32, #tpu.memory_space<vmem>>) target_semaphore(%run_scoped3A : memref<!tpu.dma_semaphore, #tpu.memory_space<semaphore_mem>>)
      %dma_wait3A_17 = tpu.memref_slice %arg3[%add3A_4] : memref<4096xi32, #tpu.memory_space<hbm>> -> memref<64xi32, #tpu.memory_space<hbm>>
      %dma_wait3A_18 = tpu.memref_slice %arg3[%add3A_4] : memref<4096xi32, #tpu.memory_space<hbm>> -> memref<64xi32, #tpu.memory_space<hbm>>
      tpu.wait_dma2 semaphore(%run_scoped3A : memref<!tpu.dma_semaphore, #tpu.memory_space<semaphore_mem>>) src(%dma_wait3A_18 : memref<64xi32, #tpu.memory_space<hbm>>) dst(%arg7 : memref<64xi32, #tpu.memory_space<vmem>>)
      tpu.yield
    }) : () -> ()
    %dma_start3A = arith.constant 0 : i32
    %dma_start3A_5 = arith.constant 0 : i32
    %dma_start3A_6 = tpu.memref_slice %arg2[%dma_start3A, %dma_start3A_5] : memref<6144x768xf32, #tpu.memory_space<hbm>> -> memref<6144x768xf32, #tpu.memory_space<hbm>>
    tpu.enqueue_indirect_dma source(%dma_start3A_6 : memref<6144x768xf32, #tpu.memory_space<hbm>>) target(%arg8 : memref<64x768xf32, #tpu.memory_space<vmem>>) offsets(%arg6 : memref<64xi32, #tpu.memory_space<vmem>>) semaphore(%arg10 : memref<!tpu.dma_semaphore, #tpu.memory_space<semaphore_mem>>)
    %dma_start3A_7 = arith.constant 0 : i32
    %dma_start3A_8 = arith.constant 0 : i32
    %dma_start3A_9 = tpu.memref_slice %arg2[%dma_start3A_7, %dma_start3A_8] : memref<6144x768xf32, #tpu.memory_space<hbm>> -> memref<6144x768xf32, #tpu.memory_space<hbm>>
    tpu.enqueue_indirect_dma source(%dma_start3A_9 : memref<6144x768xf32, #tpu.memory_space<hbm>>) target(%arg9 : memref<64x768xf32, #tpu.memory_space<vmem>>) offsets(%arg7 : memref<64xi32, #tpu.memory_space<vmem>>) semaphore(%arg11 : memref<!tpu.dma_semaphore, #tpu.memory_space<semaphore_mem>>)
    %dma_wait3A = arith.constant 0 : i32
    %dma_wait3A_10 = arith.constant 0 : i32
    %dma_wait3A_11 = tpu.memref_slice %arg2[%dma_wait3A, %dma_wait3A_10] : memref<6144x768xf32, #tpu.memory_space<hbm>> -> memref<6144x768xf32, #tpu.memory_space<hbm>>
    tpu.wait_indirect_dma semaphore(%arg10 : memref<!tpu.dma_semaphore, #tpu.memory_space<semaphore_mem>>) src(%dma_wait3A_11 : memref<6144x768xf32, #tpu.memory_space<hbm>>) dst(%arg8 : memref<64x768xf32, #tpu.memory_space<vmem>>)
    %dma_wait3A_12 = arith.constant 0 : i32
    %dma_wait3A_13 = arith.constant 0 : i32
    %dma_wait3A_14 = tpu.memref_slice %arg2[%dma_wait3A_12, %dma_wait3A_13] : memref<6144x768xf32, #tpu.memory_space<hbm>> -> memref<6144x768xf32, #tpu.memory_space<hbm>>
    tpu.wait_indirect_dma semaphore(%arg11 : memref<!tpu.dma_semaphore, #tpu.memory_space<semaphore_mem>>) src(%dma_wait3A_14 : memref<6144x768xf32, #tpu.memory_space<hbm>>) dst(%arg9 : memref<64x768xf32, #tpu.memory_space<vmem>>)
    "tpu.region"() ({
      %run_scoped3A = tpu.sem_alloc : memref<!tpu.dma_semaphore, #tpu.memory_space<semaphore_mem>>
      %dma_start3A_15 = arith.constant 0 : i32
      %dma_start3A_16 = tpu.memref_slice %arg4[%mul3A_2, %dma_start3A_15] : memref<2048x768xf32, #tpu.memory_space<hbm>> -> memref<64x768xf32, #tpu.memory_space<hbm>>
      %dma_start3A_17 = arith.constant 0 : i32
      %dma_start3A_18 = tpu.memref_slice %arg4[%mul3A_2, %dma_start3A_17] : memref<2048x768xf32, #tpu.memory_space<hbm>> -> memref<64x768xf32, #tpu.memory_space<hbm>>
      tpu.enqueue_dma source(%arg8 : memref<64x768xf32, #tpu.memory_space<vmem>>) target(%dma_start3A_18 : memref<64x768xf32, #tpu.memory_space<hbm>>) target_semaphore(%run_scoped3A : memref<!tpu.dma_semaphore, #tpu.memory_space<semaphore_mem>>)
      %dma_wait3A_19 = arith.constant 0 : i32
      %dma_wait3A_20 = tpu.memref_slice %arg4[%mul3A_2, %dma_wait3A_19] : memref<2048x768xf32, #tpu.memory_space<hbm>> -> memref<64x768xf32, #tpu.memory_space<hbm>>
      %dma_wait3A_21 = arith.constant 0 : i32
      %dma_wait3A_22 = tpu.memref_slice %arg4[%mul3A_2, %dma_wait3A_21] : memref<2048x768xf32, #tpu.memory_space<hbm>> -> memref<64x768xf32, #tpu.memory_space<hbm>>
      tpu.wait_dma2 semaphore(%run_scoped3A : memref<!tpu.dma_semaphore, #tpu.memory_space<semaphore_mem>>) src(%arg8 : memref<64x768xf32, #tpu.memory_space<vmem>>) dst(%dma_wait3A_22 : memref<64x768xf32, #tpu.memory_space<hbm>>)
      tpu.yield
    }) : () -> ()
    "tpu.region"() ({
      %run_scoped3A = tpu.sem_alloc : memref<!tpu.dma_semaphore, #tpu.memory_space<semaphore_mem>>
      %dma_start3A_15 = arith.constant 0 : i32
      %dma_start3A_16 = tpu.memref_slice %arg5[%mul3A_2, %dma_start3A_15] : memref<2048x768xf32, #tpu.memory_space<hbm>> -> memref<64x768xf32, #tpu.memory_space<hbm>>
      %dma_start3A_17 = arith.constant 0 : i32
      %dma_start3A_18 = tpu.memref_slice %arg5[%mul3A_2, %dma_start3A_17] : memref<2048x768xf32, #tpu.memory_space<hbm>> -> memref<64x768xf32, #tpu.memory_space<hbm>>
      tpu.enqueue_dma source(%arg9 : memref<64x768xf32, #tpu.memory_space<vmem>>) target(%dma_start3A_18 : memref<64x768xf32, #tpu.memory_space<hbm>>) target_semaphore(%run_scoped3A : memref<!tpu.dma_semaphore, #tpu.memory_space<semaphore_mem>>)
      %dma_wait3A_19 = arith.constant 0 : i32
      %dma_wait3A_20 = tpu.memref_slice %arg5[%mul3A_2, %dma_wait3A_19] : memref<2048x768xf32, #tpu.memory_space<hbm>> -> memref<64x768xf32, #tpu.memory_space<hbm>>
      %dma_wait3A_21 = arith.constant 0 : i32
      %dma_wait3A_22 = tpu.memref_slice %arg5[%mul3A_2, %dma_wait3A_21] : memref<2048x768xf32, #tpu.memory_space<hbm>> -> memref<64x768xf32, #tpu.memory_space<hbm>>
      tpu.wait_dma2 semaphore(%run_scoped3A : memref<!tpu.dma_semaphore, #tpu.memory_space<semaphore_mem>>) src(%arg9 : memref<64x768xf32, #tpu.memory_space<vmem>>) dst(%dma_wait3A_22 : memref<64x768xf32, #tpu.memory_space<hbm>>)
      tpu.yield
    }) : () -> ()
    return
  }
}

#map = affine_map<(d0, d1) -> (0, 0)>
#map1 = affine_map<(d0, d1) -> (0)>
module attributes {stable_mosaic.version = 14 : i64} {
  func.func @_dispatch_body(%arg0: i32, %arg1: i32, %arg2: memref<2048x768xf32, #tpu.memory_space<hbm>>, %arg3: memref<4096xi32, #tpu.memory_space<hbm>>, %arg4: memref<6144x768xf32, #tpu.memory_space<hbm>>, %arg5: memref<128xi32, #tpu.memory_space<vmem>>, %arg6: memref<128x768xf32, #tpu.memory_space<vmem>>, %arg7: memref<!tpu.dma_semaphore, #tpu.memory_space<semaphore_mem>>, %arg8: memref<!tpu.dma_semaphore, #tpu.memory_space<semaphore_mem>>) attributes {dimension_semantics = [#tpu.dimension_semantics<core_parallel>, #tpu.dimension_semantics<subcore_parallel>], iteration_bounds = array<i64: 2, 16>, scalar_prefetch = 0 : i64, scratch_operands = 4 : i64, tpu.core_type = #tpu.core_type<sc_vector_subcore>, window_params = [{transform_indices = #map}, {transform_indices = #map1}, {transform_indices = #map}]} {
    %mul3A = arith.constant 2 : i32
    %mul3A_0 = arith.muli %arg1, %mul3A : i32
    %add3A = arith.addi %mul3A_0, %arg0 : i32
    %mul3A_1 = arith.constant 128 : i32
    %mul3A_2 = arith.muli %add3A, %mul3A_1 : i32
    %rem3A = arith.constant 2048 : i32
    %rem3A_3 = arith.remsi %mul3A_2, %rem3A : i32
    "tpu.region"() ({
      %run_scoped3A = tpu.sem_alloc : memref<!tpu.dma_semaphore, #tpu.memory_space<semaphore_mem>>
      %dma_start3A_16 = tpu.memref_slice %arg3[%mul3A_2] : memref<4096xi32, #tpu.memory_space<hbm>> -> memref<128xi32, #tpu.memory_space<hbm>>
      %dma_start3A_17 = tpu.memref_slice %arg3[%mul3A_2] : memref<4096xi32, #tpu.memory_space<hbm>> -> memref<128xi32, #tpu.memory_space<hbm>>
      tpu.enqueue_dma source(%dma_start3A_17 : memref<128xi32, #tpu.memory_space<hbm>>) target(%arg5 : memref<128xi32, #tpu.memory_space<vmem>>) target_semaphore(%run_scoped3A : memref<!tpu.dma_semaphore, #tpu.memory_space<semaphore_mem>>)
      %dma_wait3A_18 = tpu.memref_slice %arg3[%mul3A_2] : memref<4096xi32, #tpu.memory_space<hbm>> -> memref<128xi32, #tpu.memory_space<hbm>>
      %dma_wait3A_19 = tpu.memref_slice %arg3[%mul3A_2] : memref<4096xi32, #tpu.memory_space<hbm>> -> memref<128xi32, #tpu.memory_space<hbm>>
      tpu.wait_dma2 semaphore(%run_scoped3A : memref<!tpu.dma_semaphore, #tpu.memory_space<semaphore_mem>>) src(%dma_wait3A_19 : memref<128xi32, #tpu.memory_space<hbm>>) dst(%arg5 : memref<128xi32, #tpu.memory_space<vmem>>)
      tpu.yield
    }) : () -> ()
    %dma_start3A = arith.constant 0 : i32
    %dma_start3A_4 = tpu.memref_slice %arg2[%rem3A_3, %dma_start3A] : memref<2048x768xf32, #tpu.memory_space<hbm>> -> memref<128x768xf32, #tpu.memory_space<hbm>>
    %dma_start3A_5 = arith.constant 0 : i32
    %dma_start3A_6 = tpu.memref_slice %arg2[%rem3A_3, %dma_start3A_5] : memref<2048x768xf32, #tpu.memory_space<hbm>> -> memref<128x768xf32, #tpu.memory_space<hbm>>
    tpu.enqueue_dma source(%dma_start3A_6 : memref<128x768xf32, #tpu.memory_space<hbm>>) target(%arg6 : memref<128x768xf32, #tpu.memory_space<vmem>>) target_semaphore(%arg8 : memref<!tpu.dma_semaphore, #tpu.memory_space<semaphore_mem>>)
    %dma_wait3A = arith.constant 0 : i32
    %dma_wait3A_7 = tpu.memref_slice %arg2[%rem3A_3, %dma_wait3A] : memref<2048x768xf32, #tpu.memory_space<hbm>> -> memref<128x768xf32, #tpu.memory_space<hbm>>
    %dma_wait3A_8 = arith.constant 0 : i32
    %dma_wait3A_9 = tpu.memref_slice %arg2[%rem3A_3, %dma_wait3A_8] : memref<2048x768xf32, #tpu.memory_space<hbm>> -> memref<128x768xf32, #tpu.memory_space<hbm>>
    tpu.wait_dma2 semaphore(%arg8 : memref<!tpu.dma_semaphore, #tpu.memory_space<semaphore_mem>>) src(%dma_wait3A_9 : memref<128x768xf32, #tpu.memory_space<hbm>>) dst(%arg6 : memref<128x768xf32, #tpu.memory_space<vmem>>)
    %dma_start3A_10 = arith.constant 0 : i32
    %dma_start3A_11 = arith.constant 0 : i32
    %dma_start3A_12 = tpu.memref_slice %arg4[%dma_start3A_10, %dma_start3A_11] : memref<6144x768xf32, #tpu.memory_space<hbm>> -> memref<6144x768xf32, #tpu.memory_space<hbm>>
    tpu.enqueue_indirect_dma source(%arg6 : memref<128x768xf32, #tpu.memory_space<vmem>>) target(%dma_start3A_12 : memref<6144x768xf32, #tpu.memory_space<hbm>>) offsets(%arg5 : memref<128xi32, #tpu.memory_space<vmem>>) semaphore(%arg7 : memref<!tpu.dma_semaphore, #tpu.memory_space<semaphore_mem>>)
    %dma_wait3A_13 = arith.constant 0 : i32
    %dma_wait3A_14 = arith.constant 0 : i32
    %dma_wait3A_15 = tpu.memref_slice %arg4[%dma_wait3A_13, %dma_wait3A_14] : memref<6144x768xf32, #tpu.memory_space<hbm>> -> memref<6144x768xf32, #tpu.memory_space<hbm>>
    tpu.wait_indirect_dma semaphore(%arg7 : memref<!tpu.dma_semaphore, #tpu.memory_space<semaphore_mem>>) src(%arg6 : memref<128x768xf32, #tpu.memory_space<vmem>>) dst(%dma_wait3A_15 : memref<6144x768xf32, #tpu.memory_space<hbm>>)
    return
  }
}

module attributes {stable_mosaic.version = 14 : i64} {
  func.func @_routing_body(%arg0: memref<2048x768xf32, #tpu.memory_space<vmem>>, %arg1: memref<768x8xf32, #tpu.memory_space<vmem>>, %arg2: memref<1x8xf32, #tpu.memory_space<vmem>>, %arg3: memref<4096x1xi32, #tpu.memory_space<vmem>>, %arg4: memref<4096x1xf32, #tpu.memory_space<vmem>>, %arg5: memref<32x1xi32, #tpu.memory_space<vmem>>) attributes {dimension_semantics = [], scalar_prefetch = 0 : i64, scratch_operands = 0 : i64, tpu.core_type = #tpu.core_type<tc>} {
    %get3A = arith.constant 0 : index
    %get3A_0 = arith.constant 0 : index
    %get3A_1 = vector.load %arg0[%get3A, %get3A_0] : memref<2048x768xf32, #tpu.memory_space<vmem>>, vector<2048x768xf32>
    %get3A_2 = arith.constant 0 : index
    %get3A_3 = arith.constant 0 : index
    %get3A_4 = vector.load %arg1[%get3A_2, %get3A_3] : memref<768x8xf32, #tpu.memory_space<vmem>>, vector<768x8xf32>
    %dot_general3A = arith.constant dense<0.000000e+00> : vector<2048x8xf32>
    %dot_general3A_5 = tpu.matmul %get3A_1, %get3A_4, %dot_general3A {dimension_numbers = #tpu.dot_dimension_numbers<[1], [0], [0], [1], [0, 0, 1, 1], [], []>, transpose_lhs_hint = false} : vector<2048x768xf32>, vector<768x8xf32>, vector<2048x8xf32> -> vector<2048x8xf32>
    %get3A_6 = arith.constant 0 : index
    %get3A_7 = arith.constant 0 : index
    %get3A_8 = vector.load %arg2[%get3A_6, %get3A_7] : memref<1x8xf32, #tpu.memory_space<vmem>>, vector<1x8xf32>
    %add3A = vector.broadcast %get3A_8 : vector<1x8xf32> to vector<2048x8xf32>
    %add3A_9 = arith.addf %dot_general3A_5, %add3A : vector<2048x8xf32>
    %iota3A = tpu.iota {dimensions = array<i32: 1>} : vector<2048x8xi32>
    %reduce_max3A = arith.constant dense<0xFF800000> : vector<2048xf32>
    %reduce_max3A_10 = vector.multi_reduction <maximumf>, %add3A_9, %reduce_max3A [1] : vector<2048x8xf32> to vector<2048xf32>
    %broadcast_in_dim3A = vector.shape_cast %reduce_max3A_10 : vector<2048xf32> to vector<2048x1xf32>
    %eq3A = vector.broadcast %broadcast_in_dim3A : vector<2048x1xf32> to vector<2048x8xf32>
    %eq3A_11 = arith.cmpf oeq, %add3A_9, %eq3A : vector<2048x8xf32>
    %jit3A = arith.constant 8 : i32
    %broadcast_in_dim3A_12 = vector.broadcast %jit3A : i32 to vector<2048x8xi32>
    %select_n3A = arith.select %eq3A_11, %iota3A, %broadcast_in_dim3A_12 : vector<2048x8xi1>, vector<2048x8xi32>
    %reduce_min3A = arith.constant dense<2147483647> : vector<2048xi32>
    %reduce_min3A_13 = vector.multi_reduction <minsi>, %select_n3A, %reduce_min3A [1] : vector<2048x8xi32> to vector<2048xi32>
    %broadcast_in_dim3A_14 = vector.shape_cast %reduce_min3A_13 : vector<2048xi32> to vector<2048x1xi32>
    %eq3A_15 = vector.broadcast %broadcast_in_dim3A_14 : vector<2048x1xi32> to vector<2048x8xi32>
    %eq3A_16 = arith.cmpi eq, %iota3A, %eq3A_15 : vector<2048x8xi32>
    %jit3A_17 = arith.constant 0xFF800000 : f32
    %broadcast_in_dim3A_18 = vector.broadcast %jit3A_17 : f32 to vector<2048x8xf32>
    %select_n3A_19 = arith.select %eq3A_16, %broadcast_in_dim3A_18, %add3A_9 : vector<2048x8xi1>, vector<2048x8xf32>
    %reduce_max3A_20 = arith.constant dense<0xFF800000> : vector<2048xf32>
    %reduce_max3A_21 = vector.multi_reduction <maximumf>, %select_n3A_19, %reduce_max3A_20 [1] : vector<2048x8xf32> to vector<2048xf32>
    %broadcast_in_dim3A_22 = vector.shape_cast %reduce_max3A_21 : vector<2048xf32> to vector<2048x1xf32>
    %eq3A_23 = vector.broadcast %broadcast_in_dim3A_22 : vector<2048x1xf32> to vector<2048x8xf32>
    %eq3A_24 = arith.cmpf oeq, %select_n3A_19, %eq3A_23 : vector<2048x8xf32>
    %jit3A_25 = arith.constant 8 : i32
    %broadcast_in_dim3A_26 = vector.broadcast %jit3A_25 : i32 to vector<2048x8xi32>
    %select_n3A_27 = arith.select %eq3A_24, %iota3A, %broadcast_in_dim3A_26 : vector<2048x8xi1>, vector<2048x8xi32>
    %reduce_min3A_28 = arith.constant dense<2147483647> : vector<2048xi32>
    %reduce_min3A_29 = vector.multi_reduction <minsi>, %select_n3A_27, %reduce_min3A_28 [1] : vector<2048x8xi32> to vector<2048xi32>
    %broadcast_in_dim3A_30 = vector.shape_cast %reduce_min3A_29 : vector<2048xi32> to vector<2048x1xi32>
    %sub3A = arith.subf %broadcast_in_dim3A_22, %broadcast_in_dim3A : vector<2048x1xf32>
    %exp3A = math.exp %sub3A : vector<2048x1xf32>
    %add3A_31 = arith.constant 1.000000e+00 : f32
    %add3A_32 = vector.broadcast %add3A_31 : f32 to vector<2048x1xf32>
    %add3A_33 = arith.addf %add3A_32, %exp3A : vector<2048x1xf32>
    %div3A = arith.constant 1.000000e+00 : f32
    %div3A_34 = vector.broadcast %div3A : f32 to vector<2048x1xf32>
    %div3A_35 = arith.divf %div3A_34, %add3A_33 : vector<2048x1xf32>
    %add3A_36 = arith.constant 1.000000e+00 : f32
    %add3A_37 = vector.broadcast %add3A_36 : f32 to vector<2048x1xf32>
    %add3A_38 = arith.addf %add3A_37, %exp3A : vector<2048x1xf32>
    %div3A_39 = arith.divf %exp3A, %add3A_38 : vector<2048x1xf32>
    %concatenate3A = tpu.concatenate %broadcast_in_dim3A_14, %broadcast_in_dim3A_30 in 0 : vector<2048x1xi32>, vector<2048x1xi32> -> vector<4096x1xi32>
    %iota3A_40 = tpu.iota {dimensions = array<i32: 1>} : vector<4096x8xi32>
    %eq3A_41 = vector.broadcast %concatenate3A : vector<4096x1xi32> to vector<4096x8xi32>
    %eq3A_42 = arith.cmpi eq, %eq3A_41, %iota3A_40 : vector<4096x8xi32>
    %convert_element_type3A = arith.extui %eq3A_42 : vector<4096x8xi1> to vector<4096x8xi32>
    %broadcast_in_dim3A_43 = arith.constant 0 : i32
    %broadcast_in_dim3A_44 = vector.broadcast %broadcast_in_dim3A_43 : i32 to vector<1x8xi32>
    %slice3A = vector.extract_strided_slice %convert_element_type3A {offsets = [0, 0], sizes = [4095, 8], strides = [1, 1]} : vector<4096x8xi32> to vector<4095x8xi32>
    %concatenate3A_45 = tpu.concatenate %broadcast_in_dim3A_44, %slice3A in 0 : vector<1x8xi32>, vector<4095x8xi32> -> vector<4096x8xi32>
    %add3A_46 = arith.addi %convert_element_type3A, %concatenate3A_45 : vector<4096x8xi32>
    %broadcast_in_dim3A_47 = arith.constant 0 : i32
    %broadcast_in_dim3A_48 = vector.broadcast %broadcast_in_dim3A_47 : i32 to vector<2x8xi32>
    %slice3A_49 = vector.extract_strided_slice %add3A_46 {offsets = [0, 0], sizes = [4094, 8], strides = [1, 1]} : vector<4096x8xi32> to vector<4094x8xi32>
    %concatenate3A_50 = tpu.concatenate %broadcast_in_dim3A_48, %slice3A_49 in 0 : vector<2x8xi32>, vector<4094x8xi32> -> vector<4096x8xi32>
    %add3A_51 = arith.addi %add3A_46, %concatenate3A_50 : vector<4096x8xi32>
    %broadcast_in_dim3A_52 = arith.constant 0 : i32
    %broadcast_in_dim3A_53 = vector.broadcast %broadcast_in_dim3A_52 : i32 to vector<4x8xi32>
    %slice3A_54 = vector.extract_strided_slice %add3A_51 {offsets = [0, 0], sizes = [4092, 8], strides = [1, 1]} : vector<4096x8xi32> to vector<4092x8xi32>
    %concatenate3A_55 = tpu.concatenate %broadcast_in_dim3A_53, %slice3A_54 in 0 : vector<4x8xi32>, vector<4092x8xi32> -> vector<4096x8xi32>
    %add3A_56 = arith.addi %add3A_51, %concatenate3A_55 : vector<4096x8xi32>
    %broadcast_in_dim3A_57 = arith.constant 0 : i32
    %broadcast_in_dim3A_58 = vector.broadcast %broadcast_in_dim3A_57 : i32 to vector<8x8xi32>
    %slice3A_59 = vector.extract_strided_slice %add3A_56 {offsets = [0, 0], sizes = [4088, 8], strides = [1, 1]} : vector<4096x8xi32> to vector<4088x8xi32>
    %concatenate3A_60 = tpu.concatenate %broadcast_in_dim3A_58, %slice3A_59 in 0 : vector<8x8xi32>, vector<4088x8xi32> -> vector<4096x8xi32>
    %add3A_61 = arith.addi %add3A_56, %concatenate3A_60 : vector<4096x8xi32>
    %broadcast_in_dim3A_62 = arith.constant 0 : i32
    %broadcast_in_dim3A_63 = vector.broadcast %broadcast_in_dim3A_62 : i32 to vector<16x8xi32>
    %slice3A_64 = vector.extract_strided_slice %add3A_61 {offsets = [0, 0], sizes = [4080, 8], strides = [1, 1]} : vector<4096x8xi32> to vector<4080x8xi32>
    %concatenate3A_65 = tpu.concatenate %broadcast_in_dim3A_63, %slice3A_64 in 0 : vector<16x8xi32>, vector<4080x8xi32> -> vector<4096x8xi32>
    %add3A_66 = arith.addi %add3A_61, %concatenate3A_65 : vector<4096x8xi32>
    %broadcast_in_dim3A_67 = arith.constant 0 : i32
    %broadcast_in_dim3A_68 = vector.broadcast %broadcast_in_dim3A_67 : i32 to vector<32x8xi32>
    %slice3A_69 = vector.extract_strided_slice %add3A_66 {offsets = [0, 0], sizes = [4064, 8], strides = [1, 1]} : vector<4096x8xi32> to vector<4064x8xi32>
    %concatenate3A_70 = tpu.concatenate %broadcast_in_dim3A_68, %slice3A_69 in 0 : vector<32x8xi32>, vector<4064x8xi32> -> vector<4096x8xi32>
    %add3A_71 = arith.addi %add3A_66, %concatenate3A_70 : vector<4096x8xi32>
    %broadcast_in_dim3A_72 = arith.constant 0 : i32
    %broadcast_in_dim3A_73 = vector.broadcast %broadcast_in_dim3A_72 : i32 to vector<64x8xi32>
    %slice3A_74 = vector.extract_strided_slice %add3A_71 {offsets = [0, 0], sizes = [4032, 8], strides = [1, 1]} : vector<4096x8xi32> to vector<4032x8xi32>
    %concatenate3A_75 = tpu.concatenate %broadcast_in_dim3A_73, %slice3A_74 in 0 : vector<64x8xi32>, vector<4032x8xi32> -> vector<4096x8xi32>
    %add3A_76 = arith.addi %add3A_71, %concatenate3A_75 : vector<4096x8xi32>
    %broadcast_in_dim3A_77 = arith.constant 0 : i32
    %broadcast_in_dim3A_78 = vector.broadcast %broadcast_in_dim3A_77 : i32 to vector<128x8xi32>
    %slice3A_79 = vector.extract_strided_slice %add3A_76 {offsets = [0, 0], sizes = [3968, 8], strides = [1, 1]} : vector<4096x8xi32> to vector<3968x8xi32>
    %concatenate3A_80 = tpu.concatenate %broadcast_in_dim3A_78, %slice3A_79 in 0 : vector<128x8xi32>, vector<3968x8xi32> -> vector<4096x8xi32>
    %add3A_81 = arith.addi %add3A_76, %concatenate3A_80 : vector<4096x8xi32>
    %broadcast_in_dim3A_82 = arith.constant 0 : i32
    %broadcast_in_dim3A_83 = vector.broadcast %broadcast_in_dim3A_82 : i32 to vector<256x8xi32>
    %slice3A_84 = vector.extract_strided_slice %add3A_81 {offsets = [0, 0], sizes = [3840, 8], strides = [1, 1]} : vector<4096x8xi32> to vector<3840x8xi32>
    %concatenate3A_85 = tpu.concatenate %broadcast_in_dim3A_83, %slice3A_84 in 0 : vector<256x8xi32>, vector<3840x8xi32> -> vector<4096x8xi32>
    %add3A_86 = arith.addi %add3A_81, %concatenate3A_85 : vector<4096x8xi32>
    %broadcast_in_dim3A_87 = arith.constant 0 : i32
    %broadcast_in_dim3A_88 = vector.broadcast %broadcast_in_dim3A_87 : i32 to vector<512x8xi32>
    %slice3A_89 = vector.extract_strided_slice %add3A_86 {offsets = [0, 0], sizes = [3584, 8], strides = [1, 1]} : vector<4096x8xi32> to vector<3584x8xi32>
    %concatenate3A_90 = tpu.concatenate %broadcast_in_dim3A_88, %slice3A_89 in 0 : vector<512x8xi32>, vector<3584x8xi32> -> vector<4096x8xi32>
    %add3A_91 = arith.addi %add3A_86, %concatenate3A_90 : vector<4096x8xi32>
    %broadcast_in_dim3A_92 = arith.constant 0 : i32
    %broadcast_in_dim3A_93 = vector.broadcast %broadcast_in_dim3A_92 : i32 to vector<1024x8xi32>
    %slice3A_94 = vector.extract_strided_slice %add3A_91 {offsets = [0, 0], sizes = [3072, 8], strides = [1, 1]} : vector<4096x8xi32> to vector<3072x8xi32>
    %concatenate3A_95 = tpu.concatenate %broadcast_in_dim3A_93, %slice3A_94 in 0 : vector<1024x8xi32>, vector<3072x8xi32> -> vector<4096x8xi32>
    %add3A_96 = arith.addi %add3A_91, %concatenate3A_95 : vector<4096x8xi32>
    %broadcast_in_dim3A_97 = arith.constant 0 : i32
    %broadcast_in_dim3A_98 = vector.broadcast %broadcast_in_dim3A_97 : i32 to vector<2048x8xi32>
    %slice3A_99 = vector.extract_strided_slice %add3A_96 {offsets = [0, 0], sizes = [2048, 8], strides = [1, 1]} : vector<4096x8xi32> to vector<2048x8xi32>
    %concatenate3A_100 = tpu.concatenate %broadcast_in_dim3A_98, %slice3A_99 in 0 : vector<2048x8xi32>, vector<2048x8xi32> -> vector<4096x8xi32>
    %add3A_101 = arith.addi %add3A_96, %concatenate3A_100 : vector<4096x8xi32>
    %slice3A_102 = vector.extract_strided_slice %add3A_101 {offsets = [4095, 0], sizes = [1, 8], strides = [1, 1]} : vector<4096x8xi32> to vector<1x8xi32>
    %add3A_103 = arith.constant 256 : i32
    %add3A_104 = vector.broadcast %add3A_103 : i32 to vector<1x8xi32>
    %add3A_105 = arith.addi %slice3A_102, %add3A_104 : vector<1x8xi32>
    %sub3A_106 = arith.constant 1 : i32
    %sub3A_107 = vector.broadcast %sub3A_106 : i32 to vector<1x8xi32>
    %sub3A_108 = arith.subi %add3A_105, %sub3A_107 : vector<1x8xi32>
    %jit3A_109 = arith.constant 256 : i32
    %div3A_110 = vector.broadcast %jit3A_109 : i32 to vector<1x8xi32>
    %div3A_111 = arith.divsi %sub3A_108, %div3A_110 : vector<1x8xi32>
    %sign3A = arith.constant 0 : i32
    %sign3A_112 = vector.broadcast %sign3A : i32 to vector<1x8xi32>
    %sign3A_113 = arith.cmpi sgt, %sub3A_108, %sign3A_112 : vector<1x8xi32>
    %sign3A_114 = arith.extui %sign3A_113 : vector<1x8xi1> to vector<1x8xi32>
    %sign3A_115 = arith.constant 0 : i32
    %sign3A_116 = vector.broadcast %sign3A_115 : i32 to vector<1x8xi32>
    %sign3A_117 = arith.cmpi slt, %sub3A_108, %sign3A_116 : vector<1x8xi32>
    %sign3A_118 = arith.extui %sign3A_117 : vector<1x8xi1> to vector<1x8xi32>
    %sign3A_119 = arith.subi %sign3A_114, %sign3A_118 : vector<1x8xi32>
    %sign3A_120 = arith.constant 0 : i32
    %sign3A_121 = arith.cmpi sgt, %jit3A_109, %sign3A_120 : i32
    %sign3A_122 = arith.extui %sign3A_121 : i1 to i32
    %sign3A_123 = arith.constant 0 : i32
    %sign3A_124 = arith.cmpi slt, %jit3A_109, %sign3A_123 : i32
    %sign3A_125 = arith.extui %sign3A_124 : i1 to i32
    %sign3A_126 = arith.subi %sign3A_122, %sign3A_125 : i32
    %ne3A = vector.broadcast %sign3A_126 : i32 to vector<1x8xi32>
    %ne3A_127 = arith.cmpi ne, %sign3A_119, %ne3A : vector<1x8xi32>
    %rem3A = vector.broadcast %jit3A_109 : i32 to vector<1x8xi32>
    %rem3A_128 = arith.remsi %sub3A_108, %rem3A : vector<1x8xi32>
    %ne3A_129 = arith.constant 0 : i32
    %ne3A_130 = vector.broadcast %ne3A_129 : i32 to vector<1x8xi32>
    %ne3A_131 = arith.cmpi ne, %rem3A_128, %ne3A_130 : vector<1x8xi32>
    %and3A = arith.andi %ne3A_127, %ne3A_131 : vector<1x8xi1>
    %sub3A_132 = arith.constant 1 : i32
    %sub3A_133 = vector.broadcast %sub3A_132 : i32 to vector<1x8xi32>
    %sub3A_134 = arith.subi %div3A_111, %sub3A_133 : vector<1x8xi32>
    %select_n3A_135 = arith.select %and3A, %sub3A_134, %div3A_111 : vector<1x8xi1>, vector<1x8xi32>
    %iota3A_136 = tpu.iota {dimensions = array<i32: 0>} : vector<8x8xi32>
    %iota3A_137 = tpu.iota {dimensions = array<i32: 1>} : vector<8x8xi32>
    %le3A = arith.cmpi sle, %iota3A_136, %iota3A_137 : vector<8x8xi32>
    %convert_element_type3A_138 = arith.extui %le3A : vector<8x8xi1> to vector<8x8xi32>
    %convert_element_type3A_139 = arith.sitofp %convert_element_type3A_138 : vector<8x8xi32> to vector<8x8xf32>
    %convert_element_type3A_140 = arith.sitofp %select_n3A_135 : vector<1x8xi32> to vector<1x8xf32>
    %dot_general3A_141 = arith.constant dense<0.000000e+00> : vector<1x8xf32>
    %dot_general3A_142 = tpu.matmul %convert_element_type3A_140, %convert_element_type3A_139, %dot_general3A_141 {dimension_numbers = #tpu.dot_dimension_numbers<[1], [0], [0], [1], [0, 0, 1, 1], [], []>, transpose_lhs_hint = false} : vector<1x8xf32>, vector<8x8xf32>, vector<1x8xf32> -> vector<1x8xf32>
    %convert_element_type3A_143 = arith.fptosi %dot_general3A_142 : vector<1x8xf32> to vector<1x8xi32>
    %sub3A_144 = arith.subi %convert_element_type3A_143, %select_n3A_135 : vector<1x8xi32>
    %mul3A = arith.constant 256 : i32
    %mul3A_145 = vector.broadcast %mul3A : i32 to vector<1x8xi32>
    %mul3A_146 = arith.muli %sub3A_144, %mul3A_145 : vector<1x8xi32>
    %mul3A_147 = arith.muli %add3A_101, %convert_element_type3A : vector<4096x8xi32>
    %reduce_sum3A = arith.constant dense<0> : vector<4096xi32>
    %reduce_sum3A_148 = vector.multi_reduction <add>, %mul3A_147, %reduce_sum3A [1] : vector<4096x8xi32> to vector<4096xi32>
    %broadcast_in_dim3A_149 = vector.shape_cast %reduce_sum3A_148 : vector<4096xi32> to vector<4096x1xi32>
    %sub3A_150 = arith.constant 1 : i32
    %sub3A_151 = vector.broadcast %sub3A_150 : i32 to vector<4096x1xi32>
    %sub3A_152 = arith.subi %broadcast_in_dim3A_149, %sub3A_151 : vector<4096x1xi32>
    %mul3A_153 = vector.broadcast %mul3A_146 : vector<1x8xi32> to vector<4096x8xi32>
    %mul3A_154 = arith.muli %convert_element_type3A, %mul3A_153 : vector<4096x8xi32>
    %reduce_sum3A_155 = arith.constant dense<0> : vector<4096xi32>
    %reduce_sum3A_156 = vector.multi_reduction <add>, %mul3A_154, %reduce_sum3A_155 [1] : vector<4096x8xi32> to vector<4096xi32>
    %broadcast_in_dim3A_157 = vector.shape_cast %reduce_sum3A_156 : vector<4096xi32> to vector<4096x1xi32>
    %add3A_158 = arith.addi %broadcast_in_dim3A_157, %sub3A_152 : vector<4096x1xi32>
    %swap3A = arith.constant 0 : index
    %swap3A_159 = arith.constant 0 : index
    %swap3A_160 = vector.load %arg3[%swap3A, %swap3A_159] : memref<4096x1xi32, #tpu.memory_space<vmem>>, vector<4096x1xi32>
    tpu.vector_store %arg3[%swap3A, %swap3A_159], %add3A_158 {strides = array<i32>} : memref<4096x1xi32, #tpu.memory_space<vmem>>, vector<4096x1xi32>,
    %concatenate3A_161 = tpu.concatenate %div3A_35, %div3A_39 in 0 : vector<2048x1xf32>, vector<2048x1xf32> -> vector<4096x1xf32>
    %swap3A_162 = arith.constant 0 : index
    %swap3A_163 = arith.constant 0 : index
    %swap3A_164 = vector.load %arg4[%swap3A_162, %swap3A_163] : memref<4096x1xf32, #tpu.memory_space<vmem>>, vector<4096x1xf32>
    tpu.vector_store %arg4[%swap3A_162, %swap3A_163], %concatenate3A_161 {strides = array<i32>} : memref<4096x1xf32, #tpu.memory_space<vmem>>, vector<4096x1xf32>,
    %iota3A_165 = tpu.iota {dimensions = array<i32: 0>} : vector<32x8xi32>
    %ge3A = vector.broadcast %convert_element_type3A_143 : vector<1x8xi32> to vector<32x8xi32>
    %ge3A_166 = arith.cmpi sge, %iota3A_165, %ge3A : vector<32x8xi32>
    %convert_element_type3A_167 = arith.extui %ge3A_166 : vector<32x8xi1> to vector<32x8xi32>
    %reduce_sum3A_168 = arith.constant dense<0> : vector<32xi32>
    %reduce_sum3A_169 = vector.multi_reduction <add>, %convert_element_type3A_167, %reduce_sum3A_168 [1] : vector<32x8xi32> to vector<32xi32>
    %broadcast_in_dim3A_170 = vector.shape_cast %reduce_sum3A_169 : vector<32xi32> to vector<32x1xi32>
    %swap3A_171 = arith.constant 0 : index
    %swap3A_172 = arith.constant 0 : index
    %swap3A_173 = vector.load %arg5[%swap3A_171, %swap3A_172] : memref<32x1xi32, #tpu.memory_space<vmem>>, vector<32x1xi32>
    tpu.vector_store %arg5[%swap3A_171, %swap3A_172], %broadcast_in_dim3A_170 {strides = array<i32>} : memref<32x1xi32, #tpu.memory_space<vmem>>, vector<32x1xi32>,
    return
  }
}

module attributes {stable_mosaic.version = 14 : i64} {
  func.func @_ffn_body(%arg0: i32, %arg1: i32, %arg2: memref<32xi32, #tpu.memory_space<smem>>, %arg3: memref<256x768xf32, #tpu.memory_space<vmem>>, %arg4: memref<1x768x1536xf32, #tpu.memory_space<vmem>>, %arg5: memref<1x1x1536xf32, #tpu.memory_space<vmem>>, %arg6: memref<1x1536x768xf32, #tpu.memory_space<vmem>>, %arg7: memref<1x1x768xf32, #tpu.memory_space<vmem>>, %arg8: memref<256x768xf32, #tpu.memory_space<vmem>>) attributes {dimension_semantics = [#tpu.dimension_semantics<arbitrary>, #tpu.dimension_semantics<arbitrary>], iteration_bounds = array<i64: 24, 2>, scalar_prefetch = 1 : i64, scratch_operands = 0 : i64, tpu.core_type = #tpu.core_type<tc>, window_params = [{transform_indices = @transform_0, window_bounds = array<i64: 256, 768>}, {transform_indices = @transform_1, window_bounds = array<i64: 1, 768, 1536>}, {transform_indices = @transform_2, window_bounds = array<i64: 1, 1, 1536>}, {transform_indices = @transform_3, window_bounds = array<i64: 1, 1536, 768>}, {transform_indices = @transform_4, window_bounds = array<i64: 1, 1, 768>}, {transform_indices = @transform_5, window_bounds = array<i64: 256, 768>}]} {
    %get3A = arith.index_cast %arg0 : i32 to index
    %get3A_0 = memref.load %arg2[%get3A] : memref<32xi32, #tpu.memory_space<smem>>
    %lt3A = arith.constant 8 : i32
    %lt3A_1 = arith.cmpi slt, %get3A_0, %lt3A : i32
    %convert_element_type3A = arith.extui %lt3A_1 : i1 to i32
    %cond3A = arith.constant 0 : i32
    %cond3A_2 = arith.cmpi ne, %convert_element_type3A, %cond3A : i32
    scf.if %cond3A_2 {
      %get3A_3 = arith.constant 0 : index
      %get3A_4 = arith.constant 0 : index
      %get3A_5 = vector.load %arg3[%get3A_3, %get3A_4] : memref<256x768xf32, #tpu.memory_space<vmem>>, vector<256x768xf32>
      %get3A_6 = arith.constant 0 : index
      %get3A_7 = arith.constant 0 : index
      %get3A_8 = arith.constant 0 : index
      %get3A_9 = vector.load %arg4[%get3A_6, %get3A_7, %get3A_8] : memref<1x768x1536xf32, #tpu.memory_space<vmem>>, vector<1x768x1536xf32>
      %get3A_10 = vector.shape_cast %get3A_9 : vector<1x768x1536xf32> to vector<768x1536xf32>
      %dot_general3A = arith.constant dense<0.000000e+00> : vector<256x1536xf32>
      %dot_general3A_11 = tpu.matmul %get3A_5, %get3A_10, %dot_general3A {dimension_numbers = #tpu.dot_dimension_numbers<[1], [0], [0], [1], [0, 0, 1, 1], [], []>, transpose_lhs_hint = false} : vector<256x768xf32>, vector<768x1536xf32>, vector<256x1536xf32> -> vector<256x1536xf32>
      %get3A_12 = arith.constant 0 : index
      %get3A_13 = arith.constant 0 : index
      %get3A_14 = arith.constant 0 : index
      %get3A_15 = vector.load %arg5[%get3A_12, %get3A_13, %get3A_14] : memref<1x1x1536xf32, #tpu.memory_space<vmem>>, vector<1x1x1536xf32>
      %get3A_16 = vector.shape_cast %get3A_15 : vector<1x1x1536xf32> to vector<1x1536xf32>
      %add3A = vector.broadcast %get3A_16 : vector<1x1536xf32> to vector<256x1536xf32>
      %add3A_17 = arith.addf %dot_general3A_11, %add3A : vector<256x1536xf32>
      %mul3A = arith.constant 5.000000e-01 : f32
      %mul3A_18 = vector.broadcast %mul3A : f32 to vector<256x1536xf32>
      %mul3A_19 = arith.mulf %mul3A_18, %add3A_17 : vector<256x1536xf32>
      %mul3A_20 = arith.constant 0.707106769 : f32
      %mul3A_21 = vector.broadcast %mul3A_20 : f32 to vector<256x1536xf32>
      %mul3A_22 = arith.mulf %add3A_17, %mul3A_21 : vector<256x1536xf32>
      %erf3A = math.erf %mul3A_22 : vector<256x1536xf32>
      %add3A_23 = arith.constant 1.000000e+00 : f32
      %add3A_24 = vector.broadcast %add3A_23 : f32 to vector<256x1536xf32>
      %add3A_25 = arith.addf %add3A_24, %erf3A : vector<256x1536xf32>
      %mul3A_26 = arith.mulf %mul3A_19, %add3A_25 : vector<256x1536xf32>
      %get3A_27 = arith.constant 0 : index
      %get3A_28 = arith.constant 0 : index
      %get3A_29 = arith.constant 0 : index
      %get3A_30 = vector.load %arg6[%get3A_27, %get3A_28, %get3A_29] : memref<1x1536x768xf32, #tpu.memory_space<vmem>>, vector<1x1536x768xf32>
      %get3A_31 = vector.shape_cast %get3A_30 : vector<1x1536x768xf32> to vector<1536x768xf32>
      %dot_general3A_32 = arith.constant dense<0.000000e+00> : vector<256x768xf32>
      %dot_general3A_33 = tpu.matmul %mul3A_26, %get3A_31, %dot_general3A_32 {dimension_numbers = #tpu.dot_dimension_numbers<[1], [0], [0], [1], [0, 0, 1, 1], [], []>, transpose_lhs_hint = false} : vector<256x1536xf32>, vector<1536x768xf32>, vector<256x768xf32> -> vector<256x768xf32>
      %eq3A = arith.constant 0 : i32
      %eq3A_34 = arith.cmpi eq, %arg1, %eq3A : i32
      %convert_element_type3A_35 = arith.extui %eq3A_34 : i1 to i32
      %cond3A_36 = arith.constant 0 : i32
      %cond3A_37 = arith.cmpi ne, %convert_element_type3A_35, %cond3A_36 : i32
      scf.if %cond3A_37 {
        %swap3A = arith.constant 0 : index
        %swap3A_43 = arith.constant 0 : index
        %swap3A_44 = vector.load %arg8[%swap3A, %swap3A_43] : memref<256x768xf32, #tpu.memory_space<vmem>>, vector<256x768xf32>
        tpu.vector_store %arg8[%swap3A, %swap3A_43], %dot_general3A_33 {strides = array<i32>} : memref<256x768xf32, #tpu.memory_space<vmem>>, vector<256x768xf32>,
      } else {
      }
      %eq3A_38 = arith.constant 1 : i32
      %eq3A_39 = arith.cmpi eq, %arg1, %eq3A_38 : i32
      %convert_element_type3A_40 = arith.extui %eq3A_39 : i1 to i32
      %cond3A_41 = arith.constant 0 : i32
      %cond3A_42 = arith.cmpi ne, %convert_element_type3A_40, %cond3A_41 : i32
      scf.if %cond3A_42 {
        %get3A_43 = arith.constant 0 : index
        %get3A_44 = arith.constant 0 : index
        %get3A_45 = vector.load %arg8[%get3A_43, %get3A_44] : memref<256x768xf32, #tpu.memory_space<vmem>>, vector<256x768xf32>
        %add3A_46 = arith.addf %get3A_45, %dot_general3A_33 : vector<256x768xf32>
        %get3A_47 = arith.constant 0 : index
        %get3A_48 = arith.constant 0 : index
        %get3A_49 = arith.constant 0 : index
        %get3A_50 = vector.load %arg7[%get3A_47, %get3A_48, %get3A_49] : memref<1x1x768xf32, #tpu.memory_space<vmem>>, vector<1x1x768xf32>
        %get3A_51 = vector.shape_cast %get3A_50 : vector<1x1x768xf32> to vector<1x768xf32>
        %add3A_52 = vector.broadcast %get3A_51 : vector<1x768xf32> to vector<256x768xf32>
        %add3A_53 = arith.addf %add3A_46, %add3A_52 : vector<256x768xf32>
        %swap3A = arith.constant 0 : index
        %swap3A_54 = arith.constant 0 : index
        %swap3A_55 = vector.load %arg8[%swap3A, %swap3A_54] : memref<256x768xf32, #tpu.memory_space<vmem>>, vector<256x768xf32>
        tpu.vector_store %arg8[%swap3A, %swap3A_54], %add3A_53 {strides = array<i32>} : memref<256x768xf32, #tpu.memory_space<vmem>>, vector<256x768xf32>,
      } else {
      }
    } else {
    }
    return
  }
  func.func @transform_0(%arg0: i32, %arg1: i32, %arg2: memref<32xi32, #tpu.memory_space<smem>>) -> (i32, i32) {
    %c0_i32 = arith.constant 0 : i32
    %c0_i32_0 = arith.constant 0 : i32
    return %arg0, %c0_i32 : i32, i32
  }
  func.func @transform_1(%arg0: i32, %arg1: i32, %arg2: memref<32xi32, #tpu.memory_space<smem>>) -> (i32, i32, i32) {
    %get3A = arith.index_cast %arg0 : i32 to index
    %get3A_0 = memref.load %arg2[%get3A] : memref<32xi32, #tpu.memory_space<smem>>
    %min3A = arith.constant 7 : i32
    %min3A_1 = arith.minsi %get3A_0, %min3A : i32
    %c0_i32 = arith.constant 0 : i32
    %c0_i32_2 = arith.constant 0 : i32
    return %min3A_1, %c0_i32, %arg1 : i32, i32, i32
  }
  func.func @transform_2(%arg0: i32, %arg1: i32, %arg2: memref<32xi32, #tpu.memory_space<smem>>) -> (i32, i32, i32) {
    %get3A = arith.index_cast %arg0 : i32 to index
    %get3A_0 = memref.load %arg2[%get3A] : memref<32xi32, #tpu.memory_space<smem>>
    %min3A = arith.constant 7 : i32
    %min3A_1 = arith.minsi %get3A_0, %min3A : i32
    %c0_i32 = arith.constant 0 : i32
    %c0_i32_2 = arith.constant 0 : i32
    return %min3A_1, %c0_i32, %arg1 : i32, i32, i32
  }
  func.func @transform_3(%arg0: i32, %arg1: i32, %arg2: memref<32xi32, #tpu.memory_space<smem>>) -> (i32, i32, i32) {
    %get3A = arith.index_cast %arg0 : i32 to index
    %get3A_0 = memref.load %arg2[%get3A] : memref<32xi32, #tpu.memory_space<smem>>
    %min3A = arith.constant 7 : i32
    %min3A_1 = arith.minsi %get3A_0, %min3A : i32
    %c0_i32 = arith.constant 0 : i32
    %c0_i32_2 = arith.constant 0 : i32
    return %min3A_1, %arg1, %c0_i32 : i32, i32, i32
  }
  func.func @transform_4(%arg0: i32, %arg1: i32, %arg2: memref<32xi32, #tpu.memory_space<smem>>) -> (i32, i32, i32) {
    %get3A = arith.index_cast %arg0 : i32 to index
    %get3A_0 = memref.load %arg2[%get3A] : memref<32xi32, #tpu.memory_space<smem>>
    %min3A = arith.constant 7 : i32
    %min3A_1 = arith.minsi %get3A_0, %min3A : i32
    %c0_i32 = arith.constant 0 : i32
    %c0_i32_2 = arith.constant 0 : i32
    %c0_i32_3 = arith.constant 0 : i32
    return %min3A_1, %c0_i32, %c0_i32_2 : i32, i32, i32
  }
  func.func @transform_5(%arg0: i32, %arg1: i32, %arg2: memref<32xi32, #tpu.memory_space<smem>>) -> (i32, i32) {
    %c0_i32 = arith.constant 0 : i32
    %c0_i32_0 = arith.constant 0 : i32
    return %arg0, %c0_i32 : i32, i32
  }
}

module attributes {stable_mosaic.version = 14 : i64} {
  func.func @_combine_body(%arg0: i32, %arg1: memref<256x768xf32, #tpu.memory_space<vmem>>, %arg2: memref<256x768xf32, #tpu.memory_space<vmem>>, %arg3: memref<256x2xf32, #tpu.memory_space<vmem>>, %arg4: memref<256x768xf32, #tpu.memory_space<vmem>>) attributes {dimension_semantics = [#tpu.dimension_semantics<arbitrary>], iteration_bounds = array<i64: 8>, scalar_prefetch = 0 : i64, scratch_operands = 0 : i64, tpu.core_type = #tpu.core_type<tc>, window_params = [{transform_indices = @transform_0, window_bounds = array<i64: 256, 768>}, {transform_indices = @transform_1, window_bounds = array<i64: 256, 768>}, {transform_indices = @transform_2, window_bounds = array<i64: 256, 2>}, {transform_indices = @transform_3, window_bounds = array<i64: 256, 768>}]} {
    %get3A = arith.constant 0 : index
    %get3A_0 = arith.constant 0 : index
    %get3A_1 = vector.load %arg1[%get3A, %get3A_0] : memref<256x768xf32, #tpu.memory_space<vmem>>, vector<256x768xf32>
    %get3A_2 = arith.constant 0 : index
    %get3A_3 = arith.constant 0 : index
    %get3A_4 = vector.load %arg3[%get3A_2, %get3A_3] : memref<256x2xf32, #tpu.memory_space<vmem>>, vector<256x1xf32>
    %mul3A = vector.broadcast %get3A_4 : vector<256x1xf32> to vector<256x768xf32>
    %mul3A_5 = arith.mulf %get3A_1, %mul3A : vector<256x768xf32>
    %get3A_6 = arith.constant 0 : index
    %get3A_7 = arith.constant 0 : index
    %get3A_8 = vector.load %arg2[%get3A_6, %get3A_7] : memref<256x768xf32, #tpu.memory_space<vmem>>, vector<256x768xf32>
    %get3A_9 = arith.constant 0 : index
    %get3A_10 = arith.constant 1 : index
    %get3A_11 = vector.load %arg3[%get3A_9, %get3A_10] : memref<256x2xf32, #tpu.memory_space<vmem>>, vector<256x1xf32>
    %mul3A_12 = vector.broadcast %get3A_11 : vector<256x1xf32> to vector<256x768xf32>
    %mul3A_13 = arith.mulf %get3A_8, %mul3A_12 : vector<256x768xf32>
    %add3A = arith.addf %mul3A_5, %mul3A_13 : vector<256x768xf32>
    %swap3A = arith.constant 0 : index
    %swap3A_14 = arith.constant 0 : index
    %swap3A_15 = vector.load %arg4[%swap3A, %swap3A_14] : memref<256x768xf32, #tpu.memory_space<vmem>>, vector<256x768xf32>
    tpu.vector_store %arg4[%swap3A, %swap3A_14], %add3A {strides = array<i32>} : memref<256x768xf32, #tpu.memory_space<vmem>>, vector<256x768xf32>,
    return
  }
  func.func @transform_0(%arg0: i32) -> (i32, i32) {
    %c0_i32 = arith.constant 0 : i32
    %c0_i32_0 = arith.constant 0 : i32
    return %arg0, %c0_i32 : i32, i32
  }
  func.func @transform_1(%arg0: i32) -> (i32, i32) {
    %c0_i32 = arith.constant 0 : i32
    %c0_i32_0 = arith.constant 0 : i32
    return %arg0, %c0_i32 : i32, i32
  }
  func.func @transform_2(%arg0: i32) -> (i32, i32) {
    %c0_i32 = arith.constant 0 : i32
    %c0_i32_0 = arith.constant 0 : i32
    return %arg0, %c0_i32 : i32, i32
  }
  func.func @transform_3(%arg0: i32) -> (i32, i32) {
    %c0_i32 = arith.constant 0 : i32
    %c0_i32_0 = arith.constant 0 : i32
    return %arg0, %c0_i32 : i32, i32
  }
}

</mosaic_0001>

<sc_bundles>
// kernel: kernel.10.cloned.1.call-start
scs
__scs_entry_jumppad:
0x0: {  	(pc) =	sbr.rel $0x88, $3  }
0x1: {  	(tag) =	ssettag $0x0;
	lr =	simm.s32 $0x1  }
0x2: {  	[smem:$0x3F9A] =	sst lr;
	_ =	strace $0xD0000000  }
0x3: {  	_ = 	snop  }
0x4: {  	_ = 	snop  }
0x5: {  	_ = 	snop  }
0x6: {  	_ = 	snop  }
0x7: {  	_ = 	snop  }
__scs_overlays_trampoline_lowered:
0x8: {  	[smem:$0x3FA9] =	sst s0  }
0x9: {  	[smem:$0x3FAA] =	sst s1  }
0xa: {  	[smem:$0x3FAB] =	sst s2  }
0xb: {  	[smem:$0x3FAC] =	sst s3  }
0xc: {  	[smem:$0x3FAD] =	sst s4  }
0xd: {  	[smem:$0x3FAE] =	sst s5  }
0xe: {  	[smem:$0x3FAF] =	sst s6  }
0xf: {  	[smem:$0x3FB0] =	sst s7  }
0x10: {  	[smem:$0x3FB1] =	sst s8  }
0x11: {  	[smem:$0x3FB2] =	sst s9;
	s0 =	simm.s32 @!p0 $0x0  }
0x12: {  	s1 =	sld [smem:$0x3F98];
	s0 =	simm.s32 @p0 $0x1  }
0x13: {  	[smem:$0x3FB3] =	sst s0;
	s0 =	simm.s32 @!p1 $0x0  }
0x14: {  	s2 =	sld [smem:$0x3F97];
	s0 =	simm.s32 @p1 $0x1  }
0x15: {  	[smem:$0x3FB4] =	sst s0;
	s0 =	simm.s32 @!p2 $0x0  }
0x16: {  	s3 =	sld [smem:$0x3FDB];
	s0 =	simm.s32 @p2 $0x1  }
0x17: {  	s4 =	simm.s32 $0x1BF5;
	[smem:$0x3FB6] =	sst s0  }
0x18: {  	s0 =	sld [smem:$0x3F99];
	_ =	swait.ge [sflag:s4], $0x0  }
0x19: {  	s7 =	sld [smem:$0x3F9A]  }
0x1a: {  	s8 =	sadd.s32 $0xFFFFE003, lr  }
0x1b: {  	s9 =	sadd.s32 $0xFFFFFEF7, lr;
	s5 =	simm.s32 $0xFFFFFFFF;
	p2 =	slt.u32 s8, $0xFFFFF086  }
0x1c: {  	p1 =	slt.u32 s9, $0xF7A;
	s5 =	simm.s32 @!p2 $0x0  }
0x1d: {  	s5 =	simm.s32 @p1 $0x1;
	p0 =	seq.s32 s7, s2  }
0x1e: {  	s7 =	smul.u32 @!p0 $0xF7A, s2;
	p2 =	seq.s32 @!p0 s5, $0x0  }
0x1f: {  	s9 =	smul.u32 $0xF7A, s1;
	s8 =	simm.s32 @!p0 $0x1BF5;
	p2 =	por !p2, p0  }
0x20: {  	[sflag:s8] =	ssyncset.s32 @!p0 $0xFFFFF086;
	s6 =	sadd.s32 @!p0 s3, s7;
	s7 =	simm.s32 @!p0 $0x108  }
0x21: {  	s3 =	sadd.s32 s3, s9;
	s6 =	sadd.s32 @!p0 $0x88, s6;
	s7 =	simm.s32 @p2 $0x1082  }
0x22: {  	[simem:s7], [sflag:s8] =	dma.local @!p0 [hbm:s6], $0xF7A  }
0x23: {  	s9 =	sor.u32 $0xD0000000, s2;
	s6 =	simm.s32 $0x108;
	_ =	swait.ge @!p0 [sflag:s8], $0x0  }
0x24: {  	s3 =	sadd.s32 $0x88, s3;
	s6 =	simm.s32 @!p1 $0x1082;
	[sflag:s4] =	ssyncset.s32 $0xFFFFF086  }
0x25: {  	[simem:s6], [sflag:s4] =	dma.local [hbm:s3], $0xF7A  }
0x26: {  	[smem:$0x3F9A] =	sst s1;
	(tag) =	ssettag s2;
	_ =	strace s9  }
0x27: {  	s1 =	sld [smem:$0x3FAA]  }
0x28: {  	s2 =	sld [smem:$0x3FAB]  }
0x29: {  	s4 =	sld [smem:$0x3FAD]  }
0x2a: {  	p0 =	seq.s32 s5, $0x0;
	s5 =	sld [smem:$0x3FAE]  }
0x2b: {  	s6 =	sld [smem:$0x3FAF]  }
0x2c: {  	s7 =	sld [smem:$0x3FB0]  }
0x2d: {  	s3 =	simm.s32 $0x108;
	s8 =	sld [smem:$0x3FB1]  }
0x2e: {  	s3 =	simm.s32 @!p0 $0x1082;
	s9 =	sld [smem:$0x3FB2]  }
0x2f: {  	lr =	sadd.s32 s0, s3;
	s0 =	sld [smem:$0x3FA9]  }
0x30: {  	s3 =	sld [smem:$0x3FAC]  }
0x31: {  	[smem:$0x3FB5] =	sst s10  }
0x32: {  	s10 =	sld [smem:$0x3FB3];
	_ =	sdelay $0x3  }
0x33: {  	p0 =	seq.s32 s10, $0x1;
	s10 =	sld [smem:$0x3FB5];
	_ =	sdelay $0x3  }
0x34: {  	[smem:$0x3FB5] =	sst s10  }
0x35: {  	s10 =	sld [smem:$0x3FB4];
	_ =	sdelay $0x3  }
0x36: {  	p1 =	seq.s32 s10, $0x1;
	s10 =	sld [smem:$0x3FB5];
	_ =	sdelay $0x3  }
0x37: {  	[smem:$0x3FB5] =	sst s10  }
0x38: {  	s10 =	sld [smem:$0x3FB6]  }
0x39: {  	_ = 	snop;
	(pc) =	sbr.ind lr, $3  }
0x3a: {  	_ = 	snop  }
0x3b: {  	_ = 	snop  }
0x3c: {  	p2 =	seq.s32 s10, $0x1;
	s10 =	sld [smem:$0x3FB5]  }
0x3d: {  	_ =	shalt  }
0x3e: {  	_ =	shalt  }
0x3f: {  	_ =	shalt  }
0x40: {  	_ =	shalt  }
0x41: {  	_ =	shalt  }
0x42: {  	_ =	shalt  }
0x43: {  	_ =	shalt  }
0x44: {  	_ =	shalt  }
0x45: {  	_ =	shalt  }
0x46: {  	_ =	shalt  }
0x47: {  	_ =	shalt  }
0x48: {  	_ =	shalt  }
0x49: {  	_ =	shalt  }
0x4a: {  	_ =	shalt  }
0x4b: {  	_ =	shalt  }
0x4c: {  	_ =	shalt  }
0x4d: {  	_ =	shalt  }
0x4e: {  	_ =	shalt  }
0x4f: {  	_ =	shalt  }
0x50: {  	_ =	shalt  }
0x51: {  	_ =	shalt  }
0x52: {  	_ =	shalt  }
0x53: {  	_ =	shalt  }
0x54: {  	_ =	shalt  }
0x55: {  	_ =	shalt  }
0x56: {  	_ =	shalt  }
0x57: {  	_ =	shalt  }
0x58: {  	_ =	shalt  }
0x59: {  	_ =	shalt  }
0x5a: {  	_ =	shalt  }
0x5b: {  	_ =	shalt  }
0x5c: {  	_ =	shalt  }
0x5d: {  	_ =	shalt  }
0x5e: {  	_ =	shalt  }
0x5f: {  	_ =	shalt  }
0x60: {  	_ =	shalt  }
0x61: {  	_ =	shalt  }
0x62: {  	_ =	shalt  }
0x63: {  	_ =	shalt  }
0x64: {  	_ =	shalt  }
0x65: {  	_ =	shalt  }
0x66: {  	_ =	shalt  }
0x67: {  	_ =	shalt  }
0x68: {  	_ =	shalt  }
0x69: {  	_ =	shalt  }
0x6a: {  	_ =	shalt  }
0x6b: {  	_ =	shalt  }
0x6c: {  	_ =	shalt  }
0x6d: {  	_ =	shalt  }
0x6e: {  	_ =	shalt  }
0x6f: {  	_ =	shalt  }
0x70: {  	_ =	shalt  }
0x71: {  	_ =	shalt  }
0x72: {  	_ =	shalt  }
0x73: {  	_ =	shalt  }
0x74: {  	_ =	shalt  }
0x75: {  	_ =	shalt  }
0x76: {  	_ =	shalt  }
0x77: {  	_ =	shalt  }
0x78: {  	_ =	shalt  }
0x79: {  	_ =	shalt  }
0x7a: {  	_ =	shalt  }
0x7b: {  	_ =	shalt  }
0x7c: {  	_ =	shalt  }
0x7d: {  	_ =	shalt  }
0x7e: {  	_ =	shalt  }
0x7f: {  	_ =	shalt  }
0x80: {  	_ =	shalt  }
0x81: {  	_ =	shalt  }
0x82: {  	_ =	shalt  }
0x83: {  	_ =	shalt  }
0x84: {  	_ =	shalt  }
0x85: {  	_ =	shalt  }
0x86: {  	_ =	shalt  }
0x87: {  	_ =	shalt  }
.Lfunc_end0:
.L_simem_size_0:
called_computation.1_lowered:
.L_overlay_start_0:
0x88: {  	s2 =	sld [smem:$0x3FD9]  }
0x89: {  	s3 =	sld [smem:$0x3FFE];
	_ =	sdelay $0x1  }
0x8a: {  	s1 =	srdreg.scid  }
0x8b: {  	s0 =	sand.u32 $0x1, s1  }
0x8c: {  	s17 =	sshll.u32 s0, $0xA;
	s2 =	sadd.s32 s3, s2  }
0x8d: {  	s2 =	sadd.s32 s2, s17  }
0x8e: {  	[smem:$0x3FC1] =	sst s2  }
0x8f: {  	_ = 	snop  }
0x90: {  	s2 =	sld [smem:$0x3FD0];
	(tm) =	ssettm $0x1  }
0x91: {  	s18 =	sld [smem:$0x3FFB];
	_ =	sdelay $0x3  }
0x92: {  	_ =	strace s18  }
0x93: {  	s3 =	sld [smem:$0x3FFC];
	_ =	sdelay $0x3  }
0x94: {  	_ =	strace s3  }
0x95: {  	s3 =	sld [smem:$0x3FFD];
	_ =	sdelay $0x3  }
0x96: {  	_ =	strace s3  }
0x97: {  	_ =	strace $0x8FFFFFFF  }
0x98: {  	s19 =	sld [smem:$0x3FDB];
	_ =	sdelay $0x1  }
0x99: {  	s4 =	simm.s32 $_scs_section_size  }
0x9a: {  	s5 =	simm.s32 $_size__tile_overlayer_lowered;
	s6 =	simm.s32 $_tile_overlayer_lowered  }
0x9b: {  	s22 =	simm.s32 $0x1BFF;
	s21 =	sshll.u32 s6, $0x1;
	s3 =	sadd.s32 s4, s19  }
0x9c: {  	s7 =	simm.s32 $0x0;
	s20 =	sshll.u32 s5, $0x1;
	s5 =	sadd.s32 s21, s3  }
0x9d: {  	[timem:s7], [sflag:s22] =	dma.local [hbm:s5], s20  }
0x9e: {  	_ =	swait.ge [sflag:s22], s20  }
0x9f: {  	s4 =	ssub.s32 $0x0, s20;
	[sflag:s22] =	ssyncset.done $0x0  }
0xa0: {  	[sflag:s22] =	ssyncadd.s32 s4;
	_ =	sdelay $0x1  }
0xa1: {  	s23 =	simm.s32 $0x1B8B  }
0xa2: {  	_ =	swait.ge [sflag:s23], $0x1  }
0xa3: {  	[sflag:s23] =	ssyncset.done $0x0  }
0xa4: {  	s25 =	simm.s32 $0x1B8E;
	s24 =	sld [smem:$0x3FFE];
	[sflag:s23] =	ssyncadd.s32 $0xFFFFFFFF  }
0xa5: {  	s26 =	simm.s32 $execute0_lowered;
	[smem:$0x3FD2] =	sst s25  }
0xa6: {  	s5 =	sshll.u32 s26, $0x1;
	_ =	strace $0x80000049;
	[dreg:$0x1] =	wrdreg $0xFFFFFFFF  }
0xa7: {  	s28 =	simm.s32 $_size_execute0_lowered;
	s3 =	sadd.s32 s3, s5;
	[dreg:$0x0] =	wrdreg $0x0  }
0xa8: {  	s5 =	sshll.u32 s28, $0x1;
	[dreg:$0x2] =	wrdreg s3  }
0xa9: {  	[dreg:$0x3] =	wrdreg s5  }
0xaa: {  	[dreg:$0x4] =	wrdreg $0xC0  }
0xab: {  	_ =	task [dreg:s7], $0x5FFFF  }
0xac: {  	[dreg:$0x1] =	wrdreg $0xFFFFFFFF  }
0xad: {  	[dreg:$0x0] =	wrdreg $0x60  }
0xae: {  	[dreg:$0x2] =	wrdreg s24  }
0xaf: {  	[dreg:$0x3] =	wrdreg s2  }
0xb0: {  	[dreg:$0x4] =	wrdreg $0x9  }
0xb1: {  	_ =	task.clear_ibuf [dreg:s7], $0x5FFFF;
	_ =	strace $0x90000049  }
0xb2: {  	s29 =	simm.s32 $0x9;
	_ =	strace $0x8000004B  }
0xb3: {  	_ =	swait.ge [sflag:s29], $0x1  }
0xb4: {  	[sflag:s29] =	ssyncadd.s32 $0xFFFFFFFF  }
0xb5: {  	_ =	strace $0x9000004B  }
0xb6: {  	_ =	sfence  }
0xb7: {  	s30 =	sld [smem:$0x0];
	_ =	sdelay $0x2  }
0xb8: {  	s31 =	sshll.u32 s1, $0xD;
	s1 =	sshrl.u32 s1, $0x2  }
0xb9: {  	s3 =	sand.u32 $0x4000, s31;
	s1 =	sadd.s32 s1, s30  }
0xba: {  	s0 =	sor.u32 s3, s0;
	s1 =	sshll.u32 s1, $0x11  }
0xbb: {  	s0 =	sor.u32 s1, s0  }
0xbc: {  	s0 =	sadd.s32 $0x8F2B, s0  }
0xbd: {  	[sflag:s0] =	ssyncadd.remote.s32 $0x1  }
0xbe: {  	_ =	sfence.sel $0xFFFF  }
0xbf: {  	[dreg:$0x0] =	wrdreg $0xFFFFFFFF;
	(pc) =	sbr.abs _section_cstart, $3  }
0xc0: {  	[dreg:$0x1] =	wrdreg $0xFFFFFFFF  }
0xc1: {  	_ =	task.clear_ibuf [dreg:s7], $0x2FFFF;
	_ =	strace $0x9FFFFFFF  }
0xc2: {  	(tm) =	ssettm $0x7FFFFFFF  }
0xc3: {  	_ =	shalt  }
tec
execute0_lowered:
.L_overlay_start_1:
0x0: {  	(tag) =	ssettag $0x1  }
0x1: {  	s2 =	srdreg.scid;
	s1 =	rddreg [dreg:$0x0]  }
0x2: {  	s3 =	rddreg [dreg:$0x1];
	s4 =	sand.u32 $0x1, s2;
	s2 =	simm.s32 $0x0  }
0x3: {  	s22 =	simm.s32 $0x80;
	[smem:$0x7FF] =	sst s2  }
0x4: {  	s23 =	simm.s32 $0x900;
	_ =	strace $0x8000004A;
	[dreg:$0x7] =	wrdreg s22  }
0x5: {  	s24 =	simm.s32 $0x1100;
	[dreg:$0x8] =	wrdreg s23  }
0x6: {  	s25 =	simm.s32 $0x1900;
	[dreg:$0x9] =	wrdreg s24  }
0x7: {  	s0 =	stileid.u32;
	s26 =	simm.s32 $0x2100;
	[dreg:$0xa] =	wrdreg s25  }
0x8: {  	s5 =	sshll.u32 s0, $0x4;
	s0 =	simm.s32 $0x2900;
	[dreg:$0xb] =	wrdreg s26  }
0x9: {  	s8 =	simm.s32 $0x4900;
	[dreg:$0xc] =	wrdreg s0  }
0xa: {  	s9 =	simm.s32 $0x5100;
	[dreg:$0x10] =	wrdreg s8  }
0xb: {  	s10 =	simm.s32 $0x5900;
	[dreg:$0x11] =	wrdreg s9  }
0xc: {  	s11 =	simm.s32 $0x6100;
	s12 =	simm.s32 $0x6900;
	[dreg:$0x12] =	wrdreg s10  }
0xd: {  	s13 =	simm.s32 $0x7100;
	s14 =	simm.s32 $0x7900;
	[dreg:$0x13] =	wrdreg s11  }
0xe: {  	s15 =	simm.s32 $0x8100;
	s16 =	simm.s32 $0x8900;
	[dreg:$0x14] =	wrdreg s12  }
0xf: {  	s17 =	simm.s32 $0x9100;
	s18 =	simm.s32 $0x9900;
	[dreg:$0x15] =	wrdreg s13  }
0x10: {  	s28 =	simm.s32 $0x16900;
	s29 =	simm.s32 $0x17100;
	[dreg:$0x16] =	wrdreg s14  }
0x11: {  	s30 =	simm.s32 $0x17900;
	s31 =	simm.s32 $0x1;
	[dreg:$0x17] =	wrdreg s15  }
0x12: {  	s6 =	sshll.u32 s4, $0x3;
	s4 =	ssub.s32 $0x2, s4;
	[dreg:$0x18] =	wrdreg s16  }
0x13: {  	s5 =	sor.u32 s6, s5;
	[dreg:$0x19] =	wrdreg s17;
	s19 =	sshrl.u32 s4, $0x1  }
0x14: {  	[dreg:$0x1a] =	wrdreg s18;
	s22 =	simm.s32 $0xB100;
	s23 =	simm.s32 $0xB900  }
0x15: {  	s24 =	simm.s32 $0xC900;
	s25 =	simm.s32 $0xD100;
	s8 =	simm.s32 $0x100  }
0x16: {  	s26 =	simm.s32 $0xD900;
	s9 =	simm.s32 $0xC100;
	s11 =	simm.s32 $0xE900  }
0x17: {  	s12 =	simm.s32 $0xF100;
	s13 =	simm.s32 $0xF900;
	[dreg:$0x1d] =	wrdreg s22  }
0x18: {  	s14 =	simm.s32 $0x10100;
	s15 =	simm.s32 $0x10900;
	[dreg:$0x1e] =	wrdreg s23  }
0x19: {  	s16 =	simm.s32 $0x11100;
	s17 =	simm.s32 $0x11900;
	[dreg:$0x1f] =	wrdreg s24  }
0x1a: {  	s18 =	simm.s32 $0x12100;
	s6 =	sadd.s32 s5, s1;
	[smem:$0x7FC] =	sst s25  }
0x1b: {  	s5 =	smul.u32 $0x300, s5;
	[smem:$0x7FD] =	sst s26;
	s7 =	sadd.s32 $0xC00, s6  }
0x1c: {  	s22 =	simm.s32 $0x14100;
	s6 =	sadd.s32 $0xD00, s6;
	[dreg:$0x3] =	wrdreg s7  }
0x1d: {  	s23 =	simm.s32 $0x14900;
	[dreg:$0x4] =	wrdreg s6;
	s3 =	sadd.s32 s3, s5  }
0x1e: {  	s20 =	sadd.s32 s5, s1;
	s5 =	simm.s32 $0x3100;
	[dreg:$0x5] =	wrdreg s3  }
0x1f: {  	s24 =	simm.s32 $0x15100;
	s6 =	simm.s32 $0x3900;
	[dreg:$0xd] =	wrdreg s5  }
0x20: {  	s25 =	simm.s32 $0x15900;
	s7 =	simm.s32 $0x4100;
	[dreg:$0xe] =	wrdreg s6  }
0x21: {  	s26 =	simm.s32 $0x16100;
	s21 =	sadd.s32 $0x90E00, s20;
	[dreg:$0xf] =	wrdreg s7  }
0x22: {  	s3 =	sadd.s32 $0xE00, s1;
	s20 =	simm.s32 $0xA100;
	s6 =	ssub.s32 s4, s19  }
0x23: {  	s4 =	sadd.s32 $0xF00, s1;
	s5 =	sadd.s32 $0x1000, s1;
	s7 =	simm.s32 $0x3  }
0x24: {  	v2 =	vlaneseq.u32;
	s19 =	simm.s32 $0x12900;
	s1 =	simm.s32 $0x2;
	[dreg:$0x6] =	wrdreg s21  }
0x25: {  	vm0 =	vmmov $0xffff;
	v1 =	vshrl.u32 v2, $0x3;
	[dreg:$0x1b] =	wrdreg s20;
	s21 =	simm.s32 $0xA900;
	s6 =	smax.u32 s6, $0x1  }
0x26: {  	v0 =	vand.u32 $0x7, v2;
	v2 =	vor.u32 $0x8, v2;
	v1 =	vmul.u32 $0x8, v1;
	s20 =	simm.s32 $0x13100;
	[dreg:$0x1c] =	wrdreg s21;
	s21 =	simm.s32 $0x13900  }
.LBB2_1:
0x27: {  	s0 =	rddreg [dreg:$0x3]  }
0x28: {  	[tilespmem:s2], [sflag:$0x3] =	stream.linear.gather [hbm4b:s0+s2], $0x40, $0x38;
	[tilespmem:$0x18100] =	vst v63  }
0x29: {  	_ =	swait.ge [sflag:s7], $0x40  }
0x2a: {  	s0 =	rddreg [dreg:$0x4];
	[sflag:s7] =	ssyncset.done $0x0  }
0x2b: {  	s10 =	rddreg [dreg:$0x7];
	[sflag:s7] =	ssyncadd.s32 $0xFFFFFFC0  }
0x2c: {  	[tilespmem:s10], [sflag:$0x3] =	stream.linear.gather [hbm4b:s0+s2], $0x40, $0x38;
	[tilespmem:$0x18100] =	vst v63  }
0x2d: {  	_ =	swait.ge [sflag:s7], $0x40  }
0x2e: {  	[sflag:s7] =	ssyncset.done $0x0  }
0x2f: {  	[sflag:s7] =	ssyncadd.s32 $0xFFFFFFC0  }
0x30: {  	v3 =	vld [tilespmem:$0x0];
	_ =	sdelay $0x4  }
0x31: {  	v4 =	vshrl.u32 v3, $0x3  }
0x32: {  	v4 =	vmul.u32 $0x30, v4  }
0x33: {  	v3 =	vand.u32 $0x7, v3  }
0x34: {  	v3 =	vor.u32 v3, v4  }
0x35: {  	v4 =	vperm.xlane v3, v0;
	_ =	sdelay $0x1  }
0x36: {  	v4 =	vadd.s32 v1, v4;
	_ =	sdelay $0x3  }
0x37: {  	v3 =	vperm.xlane v3, v2  }
0x38: {  	[tilespmem:s8], [sflag:$0x1] =	stream.indirect_vreg.gather [hbm4b:s3+s2], $0x80, v4, vm0, $0xb8;
	[tilespmem:$0x18100] =	vst v63  }
0x39: {  	s0 =	rddreg [dreg:$0x8];
	v3 =	vadd.s32 v1, v3  }
0x3a: {  	[tilespmem:s0], [sflag:$0x1] =	stream.indirect_vreg.gather [hbm4b:s4+s2], $0x80, v4, vm0, $0xb8;
	[tilespmem:$0x18100] =	vst v63  }
0x3b: {  	s10 =	rddreg [dreg:$0x9]  }
0x3c: {  	[tilespmem:s10], [sflag:$0x1] =	stream.indirect_vreg.gather [hbm4b:s5+s2], $0x80, v4, vm0, $0xb8;
	[tilespmem:$0x18100] =	vst v63  }
0x3d: {  	s0 =	rddreg [dreg:$0xa]  }
0x3e: {  	[tilespmem:s0], [sflag:$0x1] =	stream.indirect_vreg.gather [hbm4b:s3+s2], $0x80, v3, vm0, $0xb8;
	[tilespmem:$0x18100] =	vst v63  }
0x3f: {  	s10 =	rddreg [dreg:$0xb]  }
0x40: {  	[tilespmem:s10], [sflag:$0x1] =	stream.indirect_vreg.gather [hbm4b:s4+s2], $0x80, v3, vm0, $0xb8;
	[tilespmem:$0x18100] =	vst v63  }
0x41: {  	s0 =	rddreg [dreg:$0xc]  }
0x42: {  	[tilespmem:s0], [sflag:$0x1] =	stream.indirect_vreg.gather [hbm4b:s5+s2], $0x80, v3, vm0, $0xb8;
	[tilespmem:$0x18100] =	vst v63  }
0x43: {  	v3 =	vld [tilespmem:$0x10];
	_ =	sdelay $0x4  }
0x44: {  	v57 =	vshrl.u32 v3, $0x3  }
0x45: {  	v4 =	vmul.u32 $0x30, v57  }
0x46: {  	v3 =	vand.u32 $0x7, v3  }
0x47: {  	v3 =	vor.u32 v3, v4  }
0x48: {  	v4 =	vperm.xlane v3, v0;
	_ =	sdelay $0x1  }
0x49: {  	v4 =	vadd.s32 v1, v4;
	_ =	sdelay $0x3  }
0x4a: {  	s0 =	rddreg [dreg:$0xd];
	v3 =	vperm.xlane v3, v2  }
0x4b: {  	[tilespmem:s0], [sflag:$0x1] =	stream.indirect_vreg.gather [hbm4b:s3+s2], $0x80, v4, vm0, $0xb8;
	[tilespmem:$0x18100] =	vst v63  }
0x4c: {  	s10 =	rddreg [dreg:$0xe];
	v3 =	vadd.s32 v1, v3  }
0x4d: {  	[tilespmem:s10], [sflag:$0x1] =	stream.indirect_vreg.gather [hbm4b:s4+s2], $0x80, v4, vm0, $0xb8;
	[tilespmem:$0x18100] =	vst v63  }
0x4e: {  	s0 =	rddreg [dreg:$0xf]  }
0x4f: {  	[tilespmem:s0], [sflag:$0x1] =	stream.indirect_vreg.gather [hbm4b:s5+s2], $0x80, v4, vm0, $0xb8;
	[tilespmem:$0x18100] =	vst v63  }
0x50: {  	s10 =	rddreg [dreg:$0x10]  }
0x51: {  	[tilespmem:s10], [sflag:$0x1] =	stream.indirect_vreg.gather [hbm4b:s3+s2], $0x80, v3, vm0, $0xb8;
	[tilespmem:$0x18100] =	vst v63  }
0x52: {  	s0 =	rddreg [dreg:$0x11]  }
0x53: {  	[tilespmem:s0], [sflag:$0x1] =	stream.indirect_vreg.gather [hbm4b:s4+s2], $0x80, v3, vm0, $0xb8;
	[tilespmem:$0x18100] =	vst v63  }
0x54: {  	s10 =	rddreg [dreg:$0x12]  }
0x55: {  	[tilespmem:s10], [sflag:$0x1] =	stream.indirect_vreg.gather [hbm4b:s5+s2], $0x80, v3, vm0, $0xb8;
	[tilespmem:$0x18100] =	vst v63  }
0x56: {  	v3 =	vld [tilespmem:$0x20];
	_ =	sdelay $0x4  }
0x57: {  	v58 =	vshrl.u32 v3, $0x3  }
0x58: {  	v4 =	vmul.u32 $0x30, v58  }
0x59: {  	v3 =	vand.u32 $0x7, v3  }
0x5a: {  	v3 =	vor.u32 v3, v4  }
0x5b: {  	v4 =	vperm.xlane v3, v0;
	_ =	sdelay $0x1  }
0x5c: {  	v4 =	vadd.s32 v1, v4;
	_ =	sdelay $0x3  }
0x5d: {  	s0 =	rddreg [dreg:$0x13];
	v3 =	vperm.xlane v3, v2  }
0x5e: {  	[tilespmem:s0], [sflag:$0x1] =	stream.indirect_vreg.gather [hbm4b:s3+s2], $0x80, v4, vm0, $0xb8;
	[tilespmem:$0x18100] =	vst v63  }
0x5f: {  	s10 =	rddreg [dreg:$0x14];
	v3 =	vadd.s32 v1, v3  }
0x60: {  	[tilespmem:s10], [sflag:$0x1] =	stream.indirect_vreg.gather [hbm4b:s4+s2], $0x80, v4, vm0, $0xb8;
	[tilespmem:$0x18100] =	vst v63  }
0x61: {  	s0 =	rddreg [dreg:$0x15]  }
0x62: {  	[tilespmem:s0], [sflag:$0x1] =	stream.indirect_vreg.gather [hbm4b:s5+s2], $0x80, v4, vm0, $0xb8;
	[tilespmem:$0x18100] =	vst v63  }
0x63: {  	s10 =	rddreg [dreg:$0x16]  }
0x64: {  	[tilespmem:s10], [sflag:$0x1] =	stream.indirect_vreg.gather [hbm4b:s3+s2], $0x80, v3, vm0, $0xb8;
	[tilespmem:$0x18100] =	vst v63  }
0x65: {  	s0 =	rddreg [dreg:$0x17]  }
0x66: {  	[tilespmem:s0], [sflag:$0x1] =	stream.indirect_vreg.gather [hbm4b:s4+s2], $0x80, v3, vm0, $0xb8;
	[tilespmem:$0x18100] =	vst v63  }
0x67: {  	s10 =	rddreg [dreg:$0x18]  }
0x68: {  	[tilespmem:s10], [sflag:$0x1] =	stream.indirect_vreg.gather [hbm4b:s5+s2], $0x80, v3, vm0, $0xb8;
	[tilespmem:$0x18100] =	vst v63  }
0x69: {  	v3 =	vld [tilespmem:$0x30];
	_ =	sdelay $0x4  }
0x6a: {  	v59 =	vshrl.u32 v3, $0x3  }
0x6b: {  	v4 =	vmul.u32 $0x30, v59  }
0x6c: {  	v3 =	vand.u32 $0x7, v3  }
0x6d: {  	v3 =	vor.u32 v3, v4  }
0x6e: {  	v4 =	vperm.xlane v3, v0;
	_ =	sdelay $0x1  }
0x6f: {  	v4 =	vadd.s32 v1, v4;
	_ =	sdelay $0x3  }
0x70: {  	s0 =	rddreg [dreg:$0x19];
	v3 =	vperm.xlane v3, v2  }
0x71: {  	[tilespmem:s0], [sflag:$0x1] =	stream.indirect_vreg.gather [hbm4b:s3+s2], $0x80, v4, vm0, $0xb8;
	[tilespmem:$0x18100] =	vst v63  }
0x72: {  	s10 =	rddreg [dreg:$0x1a];
	v3 =	vadd.s32 v1, v3  }
0x73: {  	[tilespmem:s10], [sflag:$0x1] =	stream.indirect_vreg.gather [hbm4b:s4+s2], $0x80, v4, vm0, $0xb8;
	[tilespmem:$0x18100] =	vst v63  }
0x74: {  	s0 =	rddreg [dreg:$0x1b]  }
0x75: {  	[tilespmem:s0], [sflag:$0x1] =	stream.indirect_vreg.gather [hbm4b:s5+s2], $0x80, v4, vm0, $0xb8;
	[tilespmem:$0x18100] =	vst v63  }
0x76: {  	s10 =	rddreg [dreg:$0x1c]  }
0x77: {  	[tilespmem:s10], [sflag:$0x1] =	stream.indirect_vreg.gather [hbm4b:s3+s2], $0x80, v3, vm0, $0xb8;
	[tilespmem:$0x18100] =	vst v63  }
0x78: {  	s0 =	rddreg [dreg:$0x1d]  }
0x79: {  	[tilespmem:s0], [sflag:$0x1] =	stream.indirect_vreg.gather [hbm4b:s4+s2], $0x80, v3, vm0, $0xb8;
	[tilespmem:$0x18100] =	vst v63  }
0x7a: {  	s10 =	rddreg [dreg:$0x1e]  }
0x7b: {  	[tilespmem:s10], [sflag:$0x1] =	stream.indirect_vreg.gather [hbm4b:s5+s2], $0x80, v3, vm0, $0xb8;
	[tilespmem:$0x18100] =	vst v63  }
0x7c: {  	v3 =	vld [tilespmem:$0x80];
	_ =	sdelay $0x4  }
0x7d: {  	v60 =	vshrl.u32 v3, $0x3  }
0x7e: {  	v4 =	vmul.u32 $0x30, v60  }
0x7f: {  	v3 =	vand.u32 $0x7, v3  }
0x80: {  	v3 =	vor.u32 v3, v4  }
0x81: {  	v4 =	vperm.xlane v3, v0;
	_ =	sdelay $0x1  }
0x82: {  	v4 =	vadd.s32 v1, v4;
	_ =	sdelay $0x3  }
0x83: {  	s0 =	rddreg [dreg:$0x1f];
	v3 =	vperm.xlane v3, v2  }
0x84: {  	[tilespmem:s9], [sflag:$0x2] =	stream.indirect_vreg.gather [hbm4b:s3+s2], $0x80, v4, vm0, $0xb8;
	[tilespmem:$0x18100] =	vst v63  }
0x85: {  	s10 =	sld [smem:$0x7FC];
	v3 =	vadd.s32 v1, v3  }
0x86: {  	[tilespmem:s0], [sflag:$0x2] =	stream.indirect_vreg.gather [hbm4b:s4+s2], $0x80, v4, vm0, $0xb8;
	[tilespmem:$0x18100] =	vst v63  }
0x87: {  	s0 =	sld [smem:$0x7FD]  }
0x88: {  	[tilespmem:s10], [sflag:$0x2] =	stream.indirect_vreg.gather [hbm4b:s5+s2], $0x80, v4, vm0, $0xb8;
	[tilespmem:$0x18100] =	vst v63  }
0x89: {  	_ = 	snop  }
0x8a: {  	[tilespmem:s0], [sflag:$0x2] =	stream.indirect_vreg.gather [hbm4b:s3+s2], $0x80, v3, vm0, $0xb8;
	[tilespmem:$0x18100] =	vst v63  }
0x8b: {  	s10 =	simm.s32 $0xE100  }
0x8c: {  	[tilespmem:s10], [sflag:$0x2] =	stream.indirect_vreg.gather [hbm4b:s4+s2], $0x80, v3, vm0, $0xb8;
	[tilespmem:$0x18100] =	vst v63  }
0x8d: {  	_ = 	snop  }
0x8e: {  	[tilespmem:s11], [sflag:$0x2] =	stream.indirect_vreg.gather [hbm4b:s5+s2], $0x80, v3, vm0, $0xb8;
	[tilespmem:$0x18100] =	vst v63  }
0x8f: {  	v3 =	vld [tilespmem:$0x90];
	_ =	sdelay $0x4  }
0x90: {  	v61 =	vshrl.u32 v3, $0x3  }
0x91: {  	v4 =	vmul.u32 $0x30, v61  }
0x92: {  	v3 =	vand.u32 $0x7, v3  }
0x93: {  	v3 =	vor.u32 v3, v4  }
0x94: {  	v4 =	vperm.xlane v3, v0;
	_ =	sdelay $0x1  }
0x95: {  	v4 =	vadd.s32 v1, v4;
	_ =	sdelay $0x3  }
0x96: {  	v3 =	vperm.xlane v3, v2  }
0x97: {  	[tilespmem:s12], [sflag:$0x2] =	stream.indirect_vreg.gather [hbm4b:s3+s2], $0x80, v4, vm0, $0xb8;
	[tilespmem:$0x18100] =	vst v63  }
0x98: {  	v3 =	vadd.s32 v1, v3  }
0x99: {  	[tilespmem:s13], [sflag:$0x2] =	stream.indirect_vreg.gather [hbm4b:s4+s2], $0x80, v4, vm0, $0xb8;
	[tilespmem:$0x18100] =	vst v63  }
0x9a: {  	_ = 	snop  }
0x9b: {  	[tilespmem:s14], [sflag:$0x2] =	stream.indirect_vreg.gather [hbm4b:s5+s2], $0x80, v4, vm0, $0xb8;
	[tilespmem:$0x18100] =	vst v63  }
0x9c: {  	_ = 	snop  }
0x9d: {  	[tilespmem:s15], [sflag:$0x2] =	stream.indirect_vreg.gather [hbm4b:s3+s2], $0x80, v3, vm0, $0xb8;
	[tilespmem:$0x18100] =	vst v63  }
0x9e: {  	_ = 	snop  }
0x9f: {  	[tilespmem:s16], [sflag:$0x2] =	stream.indirect_vreg.gather [hbm4b:s4+s2], $0x80, v3, vm0, $0xb8;
	[tilespmem:$0x18100] =	vst v63  }
0xa0: {  	_ = 	snop  }
0xa1: {  	[tilespmem:s17], [sflag:$0x2] =	stream.indirect_vreg.gather [hbm4b:s5+s2], $0x80, v3, vm0, $0xb8;
	[tilespmem:$0x18100] =	vst v63  }
0xa2: {  	v3 =	vld [tilespmem:$0xA0];
	_ =	sdelay $0x4  }
0xa3: {  	v62 =	vshrl.u32 v3, $0x3  }
0xa4: {  	v4 =	vmul.u32 $0x30, v62  }
0xa5: {  	v3 =	vand.u32 $0x7, v3  }
0xa6: {  	v3 =	vor.u32 v3, v4  }
0xa7: {  	v4 =	vperm.xlane v3, v0;
	_ =	sdelay $0x1  }
0xa8: {  	v4 =	vadd.s32 v1, v4;
	_ =	sdelay $0x3  }
0xa9: {  	v3 =	vperm.xlane v3, v2  }
0xaa: {  	[tilespmem:s18], [sflag:$0x2] =	stream.indirect_vreg.gather [hbm4b:s3+s2], $0x80, v4, vm0, $0xb8;
	[tilespmem:$0x18100] =	vst v63  }
0xab: {  	v3 =	vadd.s32 v1, v3  }
0xac: {  	[tilespmem:s19], [sflag:$0x2] =	stream.indirect_vreg.gather [hbm4b:s4+s2], $0x80, v4, vm0, $0xb8;
	[tilespmem:$0x18100] =	vst v63  }
0xad: {  	_ = 	snop  }
0xae: {  	[tilespmem:s20], [sflag:$0x2] =	stream.indirect_vreg.gather [hbm4b:s5+s2], $0x80, v4, vm0, $0xb8;
	[tilespmem:$0x18100] =	vst v63  }
0xaf: {  	_ = 	snop  }
0xb0: {  	[tilespmem:s21], [sflag:$0x2] =	stream.indirect_vreg.gather [hbm4b:s3+s2], $0x80, v3, vm0, $0xb8;
	[tilespmem:$0x18100] =	vst v63  }
0xb1: {  	_ = 	snop  }
0xb2: {  	[tilespmem:s22], [sflag:$0x2] =	stream.indirect_vreg.gather [hbm4b:s4+s2], $0x80, v3, vm0, $0xb8;
	[tilespmem:$0x18100] =	vst v63  }
0xb3: {  	_ = 	snop  }
0xb4: {  	[tilespmem:s23], [sflag:$0x2] =	stream.indirect_vreg.gather [hbm4b:s5+s2], $0x80, v3, vm0, $0xb8;
	[tilespmem:$0x18100] =	vst v63  }
0xb5: {  	v3 =	vld [tilespmem:$0xB0];
	_ =	sdelay $0x4  }
0xb6: {  	v63 =	vshrl.u32 v3, $0x3  }
0xb7: {  	v4 =	vmul.u32 $0x30, v63  }
0xb8: {  	v3 =	vand.u32 $0x7, v3  }
0xb9: {  	v3 =	vor.u32 v3, v4  }
0xba: {  	v4 =	vperm.xlane v3, v0;
	_ =	sdelay $0x1  }
0xbb: {  	v4 =	vadd.s32 v1, v4;
	_ =	sdelay $0x3  }
0xbc: {  	v3 =	vperm.xlane v3, v2  }
0xbd: {  	[tilespmem:s24], [sflag:$0x2] =	stream.indirect_vreg.gather [hbm4b:s3+s2], $0x80, v4, vm0, $0xb8;
	[tilespmem:$0x18100] =	vst v63  }
0xbe: {  	v3 =	vadd.s32 v1, v3  }
0xbf: {  	[tilespmem:s25], [sflag:$0x2] =	stream.indirect_vreg.gather [hbm4b:s4+s2], $0x80, v4, vm0, $0xb8;
	[tilespmem:$0x18100] =	vst v63  }
0xc0: {  	_ = 	snop  }
0xc1: {  	[tilespmem:s26], [sflag:$0x2] =	stream.indirect_vreg.gather [hbm4b:s5+s2], $0x80, v4, vm0, $0xb8;
	[tilespmem:$0x18100] =	vst v63  }
0xc2: {  	_ = 	snop  }
0xc3: {  	[tilespmem:s28], [sflag:$0x2] =	stream.indirect_vreg.gather [hbm4b:s3+s2], $0x80, v3, vm0, $0xb8;
	[tilespmem:$0x18100] =	vst v63  }
0xc4: {  	_ = 	snop  }
0xc5: {  	[tilespmem:s29], [sflag:$0x2] =	stream.indirect_vreg.gather [hbm4b:s4+s2], $0x80, v3, vm0, $0xb8;
	[tilespmem:$0x18100] =	vst v63  }
0xc6: {  	_ = 	snop  }
0xc7: {  	[tilespmem:s30], [sflag:$0x2] =	stream.indirect_vreg.gather [hbm4b:s5+s2], $0x80, v3, vm0, $0xb8;
	[tilespmem:$0x18100] =	vst v63  }
0xc8: {  	_ =	swait.ge [sflag:s31], $0xC000  }
0xc9: {  	[sflag:s31] =	ssyncset.done $0x0  }
0xca: {  	[sflag:s31] =	ssyncadd.s32 $0xFFFF4000  }
0xcb: {  	_ =	swait.ge [sflag:s1], $0xC000  }
0xcc: {  	[sflag:s1] =	ssyncset.done $0x0  }
0xcd: {  	s10 =	rddreg [dreg:$0x5];
	[sflag:s1] =	ssyncadd.s32 $0xFFFF4000  }
0xce: {  	[hbm4b:s10+s2] =	stream.linear.scatter [tilespmem:s8], [sflag:$0x3], $0xC000, $0x38;
	[tilespmem:$0x18100] =	vst v63  }
0xcf: {  	_ =	swait.ge [sflag:s7], $0xC000  }
0xd0: {  	p0 =	sne.s32 s6, $0x1;
	[sflag:s7] =	ssyncset.done $0x0  }
.Ltmp0:
0xd1: {  	s10 =	rddreg [dreg:$0x6];
	[sflag:s7] =	ssyncadd.s32 $0xFFFF4000;
	(pc) =	sbr.rel @p0 .LBB2_1-.Ltmp0, $4  }
0xd2: {  	[hbm4b:s10+s2] =	stream.linear.scatter [tilespmem:s9], [sflag:$0x3], $0xC000, $0x38;
	[tilespmem:$0x18100] =	vst v63  }
0xd3: {  	_ =	swait.ge [sflag:s7], $0xC000  }
0xd4: {  	[sflag:s7] =	ssyncset.done $0x0  }
0xd5: {  	s6 =	sadd.s32 $0xFFFFFFFF, s6;
	[sflag:s7] =	ssyncadd.s32 $0xFFFF4000  }
0xd6: {  	_ =	sfence.sel $0x180000  }
0xd7: {  	[bflag:$0x0] =	sbarrier.arrive $0xFFFF  }
0xd8: {  	_ =	strace $0x9000004A  }
0xd9: {  	s0 =	stileid.u32;
	[bflag:$0x2] =	sbarrier.arrive $0xFFFF  }
0xda: {  	p0 =	sne.s32 s0, $0x0;
	s0 =	rddreg [dreg:$0x2]  }
0xdb: {  	s0 =	sadd.s32 @!p0 $0x100000, s0  }
0xdc: {  	[sflag:s0] =	ssyncadd.tile.s32 @!p0 $0x1;
	_ =	shalt  }
.Lfunc_end2:
_tile_overlayer_lowered:
.L_overlay_start_2:
0xdd: {  	(tag) =	ssettag $0x2  }
0xde: {  	s0 =	rddreg [dreg:$0x0];
	s2 =	stileid.u32  }
0xdf: {  	s1 =	rddreg [dreg:$0x1];
	p0 =	sne.s32 s2, $0x0  }
0xe0: {  	s3 =	rddreg [dreg:$0x2];
	[bflag:$0x3] =	sbarrier.arrive $0xFFFF;
	s2 =	simm.s32 @!p0 $0x1C03  }
0xe1: {  	[timem:s3], [sflag:s2] =	dma.local @!p0 [hbm:s0], s1  }
0xe2: {  	s0 =	simm.s32 @!p0 $0x3  }
0xe3: {  	_ =	swait.ge @!p0 [sflag:s0], s1  }
0xe4: {  	s1 =	ssub.s32 @!p0 $0x0, s1;
	[sflag:s0] =	ssyncset.done @!p0 $0x0  }
0xe5: {  	[sflag:s0] =	ssyncadd.s32 @!p0 s1  }
0xe6: {  	[bflag:$0x3] =	sbarrier.arrive $0xFFFF  }
0xe7: {  	_ =	shalt  }

// kernel: kernel.7.cloned.1.call-start
scs
__scs_entry_jumppad:
0x0: {  	(pc) =	sbr.rel $0x88, $3  }
0x1: {  	(tag) =	ssettag $0x0;
	lr =	simm.s32 $0x1  }
0x2: {  	[smem:$0x3F9A] =	sst lr;
	_ =	strace $0xD0000000  }
0x3: {  	_ = 	snop  }
0x4: {  	_ = 	snop  }
0x5: {  	_ = 	snop  }
0x6: {  	_ = 	snop  }
0x7: {  	_ = 	snop  }
__scs_overlays_trampoline_lowered:
0x8: {  	[smem:$0x3FA9] =	sst s0  }
0x9: {  	[smem:$0x3FAA] =	sst s1  }
0xa: {  	[smem:$0x3FAB] =	sst s2  }
0xb: {  	[smem:$0x3FAC] =	sst s3  }
0xc: {  	[smem:$0x3FAD] =	sst s4  }
0xd: {  	[smem:$0x3FAE] =	sst s5  }
0xe: {  	[smem:$0x3FAF] =	sst s6  }
0xf: {  	[smem:$0x3FB0] =	sst s7  }
0x10: {  	[smem:$0x3FB1] =	sst s8  }
0x11: {  	[smem:$0x3FB2] =	sst s9;
	s0 =	simm.s32 @!p0 $0x0  }
0x12: {  	s1 =	sld [smem:$0x3F98];
	s0 =	simm.s32 @p0 $0x1  }
0x13: {  	[smem:$0x3FB3] =	sst s0;
	s0 =	simm.s32 @!p1 $0x0  }
0x14: {  	s2 =	sld [smem:$0x3F97];
	s0 =	simm.s32 @p1 $0x1  }
0x15: {  	[smem:$0x3FB4] =	sst s0;
	s0 =	simm.s32 @!p2 $0x0  }
0x16: {  	s3 =	sld [smem:$0x3FDB];
	s0 =	simm.s32 @p2 $0x1  }
0x17: {  	s4 =	simm.s32 $0x1BF5;
	[smem:$0x3FB6] =	sst s0  }
0x18: {  	s0 =	sld [smem:$0x3F99];
	_ =	swait.ge [sflag:s4], $0x0  }
0x19: {  	s7 =	sld [smem:$0x3F9A]  }
0x1a: {  	s8 =	sadd.s32 $0xFFFFE003, lr  }
0x1b: {  	s9 =	sadd.s32 $0xFFFFFEF7, lr;
	s5 =	simm.s32 $0xFFFFFFFF;
	p2 =	slt.u32 s8, $0xFFFFF086  }
0x1c: {  	p1 =	slt.u32 s9, $0xF7A;
	s5 =	simm.s32 @!p2 $0x0  }
0x1d: {  	s5 =	simm.s32 @p1 $0x1;
	p0 =	seq.s32 s7, s2  }
0x1e: {  	s7 =	smul.u32 @!p0 $0xF7A, s2;
	p2 =	seq.s32 @!p0 s5, $0x0  }
0x1f: {  	s9 =	smul.u32 $0xF7A, s1;
	s8 =	simm.s32 @!p0 $0x1BF5;
	p2 =	por !p2, p0  }
0x20: {  	[sflag:s8] =	ssyncset.s32 @!p0 $0xFFFFF086;
	s6 =	sadd.s32 @!p0 s3, s7;
	s7 =	simm.s32 @!p0 $0x108  }
0x21: {  	s3 =	sadd.s32 s3, s9;
	s6 =	sadd.s32 @!p0 $0x88, s6;
	s7 =	simm.s32 @p2 $0x1082  }
0x22: {  	[simem:s7], [sflag:s8] =	dma.local @!p0 [hbm:s6], $0xF7A  }
0x23: {  	s9 =	sor.u32 $0xD0000000, s2;
	s6 =	simm.s32 $0x108;
	_ =	swait.ge @!p0 [sflag:s8], $0x0  }
0x24: {  	s3 =	sadd.s32 $0x88, s3;
	s6 =	simm.s32 @!p1 $0x1082;
	[sflag:s4] =	ssyncset.s32 $0xFFFFF086  }
0x25: {  	[simem:s6], [sflag:s4] =	dma.local [hbm:s3], $0xF7A  }
0x26: {  	[smem:$0x3F9A] =	sst s1;
	(tag) =	ssettag s2;
	_ =	strace s9  }
0x27: {  	s1 =	sld [smem:$0x3FAA]  }
0x28: {  	s2 =	sld [smem:$0x3FAB]  }
0x29: {  	s4 =	sld [smem:$0x3FAD]  }
0x2a: {  	p0 =	seq.s32 s5, $0x0;
	s5 =	sld [smem:$0x3FAE]  }
0x2b: {  	s6 =	sld [smem:$0x3FAF]  }
0x2c: {  	s7 =	sld [smem:$0x3FB0]  }
0x2d: {  	s3 =	simm.s32 $0x108;
	s8 =	sld [smem:$0x3FB1]  }
0x2e: {  	s3 =	simm.s32 @!p0 $0x1082;
	s9 =	sld [smem:$0x3FB2]  }
0x2f: {  	lr =	sadd.s32 s0, s3;
	s0 =	sld [smem:$0x3FA9]  }
0x30: {  	s3 =	sld [smem:$0x3FAC]  }
0x31: {  	[smem:$0x3FB5] =	sst s10  }
0x32: {  	s10 =	sld [smem:$0x3FB3];
	_ =	sdelay $0x3  }
0x33: {  	p0 =	seq.s32 s10, $0x1;
	s10 =	sld [smem:$0x3FB5];
	_ =	sdelay $0x3  }
0x34: {  	[smem:$0x3FB5] =	sst s10  }
0x35: {  	s10 =	sld [smem:$0x3FB4];
	_ =	sdelay $0x3  }
0x36: {  	p1 =	seq.s32 s10, $0x1;
	s10 =	sld [smem:$0x3FB5];
	_ =	sdelay $0x3  }
0x37: {  	[smem:$0x3FB5] =	sst s10  }
0x38: {  	s10 =	sld [smem:$0x3FB6]  }
0x39: {  	_ = 	snop;
	(pc) =	sbr.ind lr, $3  }
0x3a: {  	_ = 	snop  }
0x3b: {  	_ = 	snop  }
0x3c: {  	p2 =	seq.s32 s10, $0x1;
	s10 =	sld [smem:$0x3FB5]  }
0x3d: {  	_ =	shalt  }
0x3e: {  	_ =	shalt  }
0x3f: {  	_ =	shalt  }
0x40: {  	_ =	shalt  }
0x41: {  	_ =	shalt  }
0x42: {  	_ =	shalt  }
0x43: {  	_ =	shalt  }
0x44: {  	_ =	shalt  }
0x45: {  	_ =	shalt  }
0x46: {  	_ =	shalt  }
0x47: {  	_ =	shalt  }
0x48: {  	_ =	shalt  }
0x49: {  	_ =	shalt  }
0x4a: {  	_ =	shalt  }
0x4b: {  	_ =	shalt  }
0x4c: {  	_ =	shalt  }
0x4d: {  	_ =	shalt  }
0x4e: {  	_ =	shalt  }
0x4f: {  	_ =	shalt  }
0x50: {  	_ =	shalt  }
0x51: {  	_ =	shalt  }
0x52: {  	_ =	shalt  }
0x53: {  	_ =	shalt  }
0x54: {  	_ =	shalt  }
0x55: {  	_ =	shalt  }
0x56: {  	_ =	shalt  }
0x57: {  	_ =	shalt  }
0x58: {  	_ =	shalt  }
0x59: {  	_ =	shalt  }
0x5a: {  	_ =	shalt  }
0x5b: {  	_ =	shalt  }
0x5c: {  	_ =	shalt  }
0x5d: {  	_ =	shalt  }
0x5e: {  	_ =	shalt  }
0x5f: {  	_ =	shalt  }
0x60: {  	_ =	shalt  }
0x61: {  	_ =	shalt  }
0x62: {  	_ =	shalt  }
0x63: {  	_ =	shalt  }
0x64: {  	_ =	shalt  }
0x65: {  	_ =	shalt  }
0x66: {  	_ =	shalt  }
0x67: {  	_ =	shalt  }
0x68: {  	_ =	shalt  }
0x69: {  	_ =	shalt  }
0x6a: {  	_ =	shalt  }
0x6b: {  	_ =	shalt  }
0x6c: {  	_ =	shalt  }
0x6d: {  	_ =	shalt  }
0x6e: {  	_ =	shalt  }
0x6f: {  	_ =	shalt  }
0x70: {  	_ =	shalt  }
0x71: {  	_ =	shalt  }
0x72: {  	_ =	shalt  }
0x73: {  	_ =	shalt  }
0x74: {  	_ =	shalt  }
0x75: {  	_ =	shalt  }
0x76: {  	_ =	shalt  }
0x77: {  	_ =	shalt  }
0x78: {  	_ =	shalt  }
0x79: {  	_ =	shalt  }
0x7a: {  	_ =	shalt  }
0x7b: {  	_ =	shalt  }
0x7c: {  	_ =	shalt  }
0x7d: {  	_ =	shalt  }
0x7e: {  	_ =	shalt  }
0x7f: {  	_ =	shalt  }
0x80: {  	_ =	shalt  }
0x81: {  	_ =	shalt  }
0x82: {  	_ =	shalt  }
0x83: {  	_ =	shalt  }
0x84: {  	_ =	shalt  }
0x85: {  	_ =	shalt  }
0x86: {  	_ =	shalt  }
0x87: {  	_ =	shalt  }
.Lfunc_end0:
.L_simem_size_0:
called_computation_lowered:
.L_overlay_start_0:
0x88: {  	s2 =	sld [smem:$0x3FD9]  }
0x89: {  	s3 =	sld [smem:$0x3FFE];
	_ =	sdelay $0x1  }
0x8a: {  	s1 =	srdreg.scid  }
0x8b: {  	s0 =	sand.u32 $0x1, s1  }
0x8c: {  	s17 =	sshll.u32 s0, $0xA;
	s2 =	sadd.s32 s3, s2  }
0x8d: {  	s2 =	sadd.s32 s2, s17  }
0x8e: {  	[smem:$0x3FC1] =	sst s2  }
0x8f: {  	_ = 	snop  }
0x90: {  	s2 =	sld [smem:$0x3FC9];
	(tm) =	ssettm $0x1  }
0x91: {  	s18 =	sld [smem:$0x3FFB];
	_ =	sdelay $0x3  }
0x92: {  	_ =	strace s18  }
0x93: {  	s3 =	sld [smem:$0x3FFC];
	_ =	sdelay $0x3  }
0x94: {  	_ =	strace s3  }
0x95: {  	s3 =	sld [smem:$0x3FFD];
	_ =	sdelay $0x3  }
0x96: {  	_ =	strace s3  }
0x97: {  	_ =	strace $0x8FFFFFFF  }
0x98: {  	s19 =	sld [smem:$0x3FDB];
	_ =	sdelay $0x1  }
0x99: {  	s4 =	simm.s32 $_scs_section_size  }
0x9a: {  	s5 =	simm.s32 $_size__tile_overlayer_lowered;
	s6 =	simm.s32 $_tile_overlayer_lowered  }
0x9b: {  	s22 =	simm.s32 $0x1BFF;
	s21 =	sshll.u32 s6, $0x1;
	s3 =	sadd.s32 s4, s19  }
0x9c: {  	s7 =	simm.s32 $0x0;
	s20 =	sshll.u32 s5, $0x1;
	s5 =	sadd.s32 s21, s3  }
0x9d: {  	[timem:s7], [sflag:s22] =	dma.local [hbm:s5], s20  }
0x9e: {  	_ =	swait.ge [sflag:s22], s20  }
0x9f: {  	s4 =	ssub.s32 $0x0, s20;
	[sflag:s22] =	ssyncset.done $0x0  }
0xa0: {  	[sflag:s22] =	ssyncadd.s32 s4;
	_ =	sdelay $0x1  }
0xa1: {  	s23 =	simm.s32 $0x1B8B  }
0xa2: {  	_ =	swait.ge [sflag:s23], $0x1  }
0xa3: {  	[sflag:s23] =	ssyncset.done $0x0  }
0xa4: {  	s25 =	simm.s32 $0x1B8E;
	s24 =	sld [smem:$0x3FFE];
	[sflag:s23] =	ssyncadd.s32 $0xFFFFFFFF  }
0xa5: {  	s26 =	simm.s32 $execute0_lowered;
	[smem:$0x3FD2] =	sst s25  }
0xa6: {  	s5 =	sshll.u32 s26, $0x1;
	_ =	strace $0x80000046;
	[dreg:$0x1] =	wrdreg $0xFFFFFFFF  }
0xa7: {  	s28 =	simm.s32 $_size_execute0_lowered;
	s3 =	sadd.s32 s3, s5;
	[dreg:$0x0] =	wrdreg $0x0  }
0xa8: {  	s5 =	sshll.u32 s28, $0x1;
	[dreg:$0x2] =	wrdreg s3  }
0xa9: {  	[dreg:$0x3] =	wrdreg s5  }
0xaa: {  	[dreg:$0x4] =	wrdreg $0xC0  }
0xab: {  	_ =	task [dreg:s7], $0x5FFFF  }
0xac: {  	[dreg:$0x1] =	wrdreg $0xFFFFFFFF  }
0xad: {  	[dreg:$0x0] =	wrdreg $0x60  }
0xae: {  	[dreg:$0x2] =	wrdreg s2  }
0xaf: {  	[dreg:$0x3] =	wrdreg s24  }
0xb0: {  	[dreg:$0x4] =	wrdreg $0x9  }
0xb1: {  	_ =	task.clear_ibuf [dreg:s7], $0x5FFFF;
	_ =	strace $0x90000046  }
0xb2: {  	s29 =	simm.s32 $0x9;
	_ =	strace $0x80000048  }
0xb3: {  	_ =	swait.ge [sflag:s29], $0x1  }
0xb4: {  	[sflag:s29] =	ssyncadd.s32 $0xFFFFFFFF  }
0xb5: {  	_ =	strace $0x90000048  }
0xb6: {  	_ =	sfence  }
0xb7: {  	s30 =	sld [smem:$0x0];
	_ =	sdelay $0x2  }
0xb8: {  	s31 =	sshll.u32 s1, $0xD;
	s1 =	sshrl.u32 s1, $0x2  }
0xb9: {  	s3 =	sand.u32 $0x4000, s31;
	s1 =	sadd.s32 s1, s30  }
0xba: {  	s0 =	sor.u32 s3, s0;
	s1 =	sshll.u32 s1, $0x11  }
0xbb: {  	s0 =	sor.u32 s1, s0  }
0xbc: {  	s0 =	sadd.s32 $0x8F2B, s0  }
0xbd: {  	[sflag:s0] =	ssyncadd.remote.s32 $0x1  }
0xbe: {  	_ =	sfence.sel $0xFFFF  }
0xbf: {  	[dreg:$0x0] =	wrdreg $0xFFFFFFFF;
	(pc) =	sbr.abs _section_cstart, $3  }
0xc0: {  	[dreg:$0x1] =	wrdreg $0xFFFFFFFF  }
0xc1: {  	_ =	task.clear_ibuf [dreg:s7], $0x2FFFF;
	_ =	strace $0x9FFFFFFF  }
0xc2: {  	(tm) =	ssettm $0x7FFFFFFF  }
0xc3: {  	_ =	shalt  }
tec
execute0_lowered:
.L_overlay_start_1:
0x0: {  	(tag) =	ssettag $0x1  }
0x1: {  	s1 =	srdreg.scid  }
0x2: {  	s0 =	stileid.u32;
	s1 =	sand.u32 $0x1, s1  }
0x3: {  	s3 =	rddreg [dreg:$0x0];
	s2 =	sshll.u32 s0, $0x5;
	s4 =	sshll.u32 s1, $0x4  }
0x4: {  	s5 =	rddreg [dreg:$0x1];
	s4 =	sor.u32 s4, s2;
	s2 =	simm.s32 $0x0  }
0x5: {  	s24 =	simm.s32 $0x880;
	[smem:$0x7FF] =	sst s2  }
0x6: {  	s25 =	simm.s32 $0x1080;
	_ =	strace $0x80000047;
	[dreg:$0x5] =	wrdreg s24  }
0x7: {  	s26 =	simm.s32 $0x1880;
	[dreg:$0x6] =	wrdreg s25  }
0x8: {  	s0 =	simm.s32 $0x2080;
	[dreg:$0x7] =	wrdreg s26  }
0x9: {  	s7 =	simm.s32 $0x3880;
	[dreg:$0x8] =	wrdreg s0  }
0xa: {  	s8 =	simm.s32 $0x4080;
	[dreg:$0xb] =	wrdreg s7  }
0xb: {  	s9 =	simm.s32 $0x4880;
	[dreg:$0xc] =	wrdreg s8  }
0xc: {  	s10 =	simm.s32 $0x5080;
	[dreg:$0xd] =	wrdreg s9  }
0xd: {  	s11 =	simm.s32 $0x5880;
	s12 =	simm.s32 $0x6080;
	[dreg:$0xe] =	wrdreg s10  }
0xe: {  	s13 =	simm.s32 $0x6880;
	s14 =	simm.s32 $0x7080;
	[dreg:$0xf] =	wrdreg s11  }
0xf: {  	s15 =	simm.s32 $0x7880;
	s16 =	simm.s32 $0x8080;
	[dreg:$0x10] =	wrdreg s12  }
0x10: {  	s17 =	simm.s32 $0x8880;
	s18 =	simm.s32 $0x9080;
	[dreg:$0x11] =	wrdreg s13  }
0x11: {  	s19 =	simm.s32 $0x9880;
	s21 =	simm.s32 $0xA080;
	[dreg:$0x12] =	wrdreg s14  }
0x12: {  	s22 =	simm.s32 $0xA880;
	s23 =	simm.s32 $0xB080;
	[dreg:$0x13] =	wrdreg s15  }
0x13: {  	s28 =	simm.s32 $0x16080;
	s29 =	simm.s32 $0x16880;
	[dreg:$0x14] =	wrdreg s16  }
0x14: {  	s30 =	simm.s32 $0x17080;
	s1 =	ssub.s32 $0x2, s1;
	[dreg:$0x15] =	wrdreg s17  }
0x15: {  	s31 =	simm.s32 $0x17880;
	s20 =	sshrl.u32 s1, $0x1;
	[dreg:$0x16] =	wrdreg s18  }
0x16: {  	s6 =	sand.u32 $0xF0, s4;
	s4 =	sadd.s32 s4, s5;
	[dreg:$0x17] =	wrdreg s19  }
0x17: {  	s1 =	ssub.s32 s1, s20;
	s20 =	simm.s32 $0x12880;
	[dreg:$0x18] =	wrdreg s21  }
0x18: {  	s6 =	smul.u32 $0x300, s6;
	s4 =	sadd.s32 $0xC00, s4;
	[dreg:$0x19] =	wrdreg s22  }
0x19: {  	[dreg:$0x1a] =	wrdreg s23;
	s7 =	simm.s32 $0xB880;
	s24 =	simm.s32 $0xC080  }
0x1a: {  	s25 =	simm.s32 $0xC880;
	s8 =	simm.s32 $0x80;
	s26 =	simm.s32 $0xD080  }
0x1b: {  	s9 =	simm.s32 $0x2;
	s11 =	simm.s32 $0xE080;
	s12 =	simm.s32 $0xE880  }
0x1c: {  	s13 =	simm.s32 $0xF080;
	s14 =	simm.s32 $0xF880;
	s15 =	simm.s32 $0x10080  }
0x1d: {  	s16 =	simm.s32 $0x10880;
	s17 =	simm.s32 $0x11080;
	[dreg:$0x3] =	wrdreg s4  }
0x1e: {  	s18 =	simm.s32 $0x11880;
	s19 =	simm.s32 $0x12080;
	[dreg:$0x1b] =	wrdreg s7  }
0x1f: {  	s21 =	simm.s32 $0x13080;
	s22 =	simm.s32 $0x13880;
	[dreg:$0x1c] =	wrdreg s24  }
0x20: {  	s23 =	simm.s32 $0x14080;
	s4 =	simm.s32 $0x2880;
	[dreg:$0x1d] =	wrdreg s25  }
0x21: {  	s7 =	simm.s32 $0x3;
	[dreg:$0x1e] =	wrdreg s26;
	s24 =	simm.s32 $0x14880  }
0x22: {  	s25 =	simm.s32 $0x15080;
	s3 =	sadd.s32 s3, s6;
	[dreg:$0x9] =	wrdreg s4  }
0x23: {  	v2 =	vlaneseq.u32;
	s26 =	simm.s32 $0x15880;
	s6 =	simm.s32 $0x3080;
	[dreg:$0x4] =	wrdreg s3  }
0x24: {  	vm0 =	vmmov $0xffff;
	v1 =	vshrl.u32 v2, $0x3;
	s4 =	sadd.s32 $0xF00, s5;
	[dreg:$0xa] =	wrdreg s6;
	s3 =	sadd.s32 $0xE00, s5  }
0x25: {  	v0 =	vand.u32 $0x7, v2;
	v2 =	vor.u32 $0x8, v2;
	v1 =	vmul.u32 $0x8, v1;
	s5 =	sadd.s32 $0x1000, s5;
	s6 =	smax.u32 s1, $0x1;
	s1 =	simm.s32 $0x1  }
.LBB2_1:
0x26: {  	s0 =	rddreg [dreg:$0x3]  }
0x27: {  	[tilespmem:s2], [sflag:$0x3] =	stream.linear.gather [hbm4b:s0+s2], $0x80, $0x38;
	[tilespmem:$0x18080] =	vst v63  }
0x28: {  	_ =	swait.ge [sflag:s7], $0x80  }
0x29: {  	[sflag:s7] =	ssyncset.done $0x0  }
0x2a: {  	s10 =	rddreg [dreg:$0x4];
	[sflag:s7] =	ssyncadd.s32 $0xFFFFFF80  }
0x2b: {  	[tilespmem:s8], [sflag:$0x2] =	stream.linear.gather [hbm4b:s10+s2], $0x18000, $0x38;
	[tilespmem:$0x18080] =	vst v63  }
0x2c: {  	_ =	swait.ge [sflag:s9], $0x18000  }
0x2d: {  	[sflag:s9] =	ssyncset.done $0x0  }
0x2e: {  	[sflag:s9] =	ssyncadd.s32 $0xFFFE8000  }
0x2f: {  	v3 =	vld [tilespmem:$0x0];
	_ =	sdelay $0x4  }
0x30: {  	v4 =	vshrl.u32 v3, $0x3  }
0x31: {  	v4 =	vmul.u32 $0x30, v4  }
0x32: {  	v3 =	vand.u32 $0x7, v3  }
0x33: {  	v3 =	vor.u32 v3, v4  }
0x34: {  	v4 =	vperm.xlane v3, v0;
	_ =	sdelay $0x1  }
0x35: {  	v4 =	vadd.s32 v1, v4;
	_ =	sdelay $0x3  }
0x36: {  	v3 =	vperm.xlane v3, v2  }
0x37: {  	[hbm4b:s3+s2] =	stream.indirect_vreg.scatter [tilespmem:s8], [sflag:$0x1], $0x80, v4, vm0, $0xb8;
	[tilespmem:$0x18080] =	vst v63  }
0x38: {  	s0 =	rddreg [dreg:$0x5];
	v3 =	vadd.s32 v1, v3  }
0x39: {  	[hbm4b:s4+s2] =	stream.indirect_vreg.scatter [tilespmem:s0], [sflag:$0x1], $0x80, v4, vm0, $0xb8;
	[tilespmem:$0x18080] =	vst v63  }
0x3a: {  	s10 =	rddreg [dreg:$0x6]  }
0x3b: {  	[hbm4b:s5+s2] =	stream.indirect_vreg.scatter [tilespmem:s10], [sflag:$0x1], $0x80, v4, vm0, $0xb8;
	[tilespmem:$0x18080] =	vst v63  }
0x3c: {  	s0 =	rddreg [dreg:$0x7]  }
0x3d: {  	[hbm4b:s3+s2] =	stream.indirect_vreg.scatter [tilespmem:s0], [sflag:$0x1], $0x80, v3, vm0, $0xb8;
	[tilespmem:$0x18080] =	vst v63  }
0x3e: {  	s10 =	rddreg [dreg:$0x8]  }
0x3f: {  	[hbm4b:s4+s2] =	stream.indirect_vreg.scatter [tilespmem:s10], [sflag:$0x1], $0x80, v3, vm0, $0xb8;
	[tilespmem:$0x18080] =	vst v63  }
0x40: {  	s0 =	rddreg [dreg:$0x9]  }
0x41: {  	[hbm4b:s5+s2] =	stream.indirect_vreg.scatter [tilespmem:s0], [sflag:$0x1], $0x80, v3, vm0, $0xb8;
	[tilespmem:$0x18080] =	vst v63  }
0x42: {  	v3 =	vld [tilespmem:$0x10];
	_ =	sdelay $0x4  }
0x43: {  	v57 =	vshrl.u32 v3, $0x3  }
0x44: {  	v4 =	vmul.u32 $0x30, v57  }
0x45: {  	v3 =	vand.u32 $0x7, v3  }
0x46: {  	v3 =	vor.u32 v3, v4  }
0x47: {  	v4 =	vperm.xlane v3, v0;
	_ =	sdelay $0x1  }
0x48: {  	v4 =	vadd.s32 v1, v4;
	_ =	sdelay $0x3  }
0x49: {  	s0 =	rddreg [dreg:$0xa];
	v3 =	vperm.xlane v3, v2  }
0x4a: {  	[hbm4b:s3+s2] =	stream.indirect_vreg.scatter [tilespmem:s0], [sflag:$0x1], $0x80, v4, vm0, $0xb8;
	[tilespmem:$0x18080] =	vst v63  }
0x4b: {  	s10 =	rddreg [dreg:$0xb];
	v3 =	vadd.s32 v1, v3  }
0x4c: {  	[hbm4b:s4+s2] =	stream.indirect_vreg.scatter [tilespmem:s10], [sflag:$0x1], $0x80, v4, vm0, $0xb8;
	[tilespmem:$0x18080] =	vst v63  }
0x4d: {  	s0 =	rddreg [dreg:$0xc]  }
0x4e: {  	[hbm4b:s5+s2] =	stream.indirect_vreg.scatter [tilespmem:s0], [sflag:$0x1], $0x80, v4, vm0, $0xb8;
	[tilespmem:$0x18080] =	vst v63  }
0x4f: {  	s10 =	rddreg [dreg:$0xd]  }
0x50: {  	[hbm4b:s3+s2] =	stream.indirect_vreg.scatter [tilespmem:s10], [sflag:$0x1], $0x80, v3, vm0, $0xb8;
	[tilespmem:$0x18080] =	vst v63  }
0x51: {  	s0 =	rddreg [dreg:$0xe]  }
0x52: {  	[hbm4b:s4+s2] =	stream.indirect_vreg.scatter [tilespmem:s0], [sflag:$0x1], $0x80, v3, vm0, $0xb8;
	[tilespmem:$0x18080] =	vst v63  }
0x53: {  	s10 =	rddreg [dreg:$0xf]  }
0x54: {  	[hbm4b:s5+s2] =	stream.indirect_vreg.scatter [tilespmem:s10], [sflag:$0x1], $0x80, v3, vm0, $0xb8;
	[tilespmem:$0x18080] =	vst v63  }
0x55: {  	v3 =	vld [tilespmem:$0x20];
	_ =	sdelay $0x4  }
0x56: {  	v58 =	vshrl.u32 v3, $0x3  }
0x57: {  	v4 =	vmul.u32 $0x30, v58  }
0x58: {  	v3 =	vand.u32 $0x7, v3  }
0x59: {  	v3 =	vor.u32 v3, v4  }
0x5a: {  	v4 =	vperm.xlane v3, v0;
	_ =	sdelay $0x1  }
0x5b: {  	v4 =	vadd.s32 v1, v4;
	_ =	sdelay $0x3  }
0x5c: {  	s0 =	rddreg [dreg:$0x10];
	v3 =	vperm.xlane v3, v2  }
0x5d: {  	[hbm4b:s3+s2] =	stream.indirect_vreg.scatter [tilespmem:s0], [sflag:$0x1], $0x80, v4, vm0, $0xb8;
	[tilespmem:$0x18080] =	vst v63  }
0x5e: {  	s10 =	rddreg [dreg:$0x11];
	v3 =	vadd.s32 v1, v3  }
0x5f: {  	[hbm4b:s4+s2] =	stream.indirect_vreg.scatter [tilespmem:s10], [sflag:$0x1], $0x80, v4, vm0, $0xb8;
	[tilespmem:$0x18080] =	vst v63  }
0x60: {  	s0 =	rddreg [dreg:$0x12]  }
0x61: {  	[hbm4b:s5+s2] =	stream.indirect_vreg.scatter [tilespmem:s0], [sflag:$0x1], $0x80, v4, vm0, $0xb8;
	[tilespmem:$0x18080] =	vst v63  }
0x62: {  	s10 =	rddreg [dreg:$0x13]  }
0x63: {  	[hbm4b:s3+s2] =	stream.indirect_vreg.scatter [tilespmem:s10], [sflag:$0x1], $0x80, v3, vm0, $0xb8;
	[tilespmem:$0x18080] =	vst v63  }
0x64: {  	s0 =	rddreg [dreg:$0x14]  }
0x65: {  	[hbm4b:s4+s2] =	stream.indirect_vreg.scatter [tilespmem:s0], [sflag:$0x1], $0x80, v3, vm0, $0xb8;
	[tilespmem:$0x18080] =	vst v63  }
0x66: {  	s10 =	rddreg [dreg:$0x15]  }
0x67: {  	[hbm4b:s5+s2] =	stream.indirect_vreg.scatter [tilespmem:s10], [sflag:$0x1], $0x80, v3, vm0, $0xb8;
	[tilespmem:$0x18080] =	vst v63  }
0x68: {  	v3 =	vld [tilespmem:$0x30];
	_ =	sdelay $0x4  }
0x69: {  	v59 =	vshrl.u32 v3, $0x3  }
0x6a: {  	v4 =	vmul.u32 $0x30, v59  }
0x6b: {  	v3 =	vand.u32 $0x7, v3  }
0x6c: {  	v3 =	vor.u32 v3, v4  }
0x6d: {  	v4 =	vperm.xlane v3, v0;
	_ =	sdelay $0x1  }
0x6e: {  	v4 =	vadd.s32 v1, v4;
	_ =	sdelay $0x3  }
0x6f: {  	s0 =	rddreg [dreg:$0x16];
	v3 =	vperm.xlane v3, v2  }
0x70: {  	[hbm4b:s3+s2] =	stream.indirect_vreg.scatter [tilespmem:s0], [sflag:$0x1], $0x80, v4, vm0, $0xb8;
	[tilespmem:$0x18080] =	vst v63  }
0x71: {  	s10 =	rddreg [dreg:$0x17];
	v3 =	vadd.s32 v1, v3  }
0x72: {  	[hbm4b:s4+s2] =	stream.indirect_vreg.scatter [tilespmem:s10], [sflag:$0x1], $0x80, v4, vm0, $0xb8;
	[tilespmem:$0x18080] =	vst v63  }
0x73: {  	s0 =	rddreg [dreg:$0x18]  }
0x74: {  	[hbm4b:s5+s2] =	stream.indirect_vreg.scatter [tilespmem:s0], [sflag:$0x1], $0x80, v4, vm0, $0xb8;
	[tilespmem:$0x18080] =	vst v63  }
0x75: {  	s10 =	rddreg [dreg:$0x19]  }
0x76: {  	[hbm4b:s3+s2] =	stream.indirect_vreg.scatter [tilespmem:s10], [sflag:$0x1], $0x80, v3, vm0, $0xb8;
	[tilespmem:$0x18080] =	vst v63  }
0x77: {  	s0 =	rddreg [dreg:$0x1a]  }
0x78: {  	[hbm4b:s4+s2] =	stream.indirect_vreg.scatter [tilespmem:s0], [sflag:$0x1], $0x80, v3, vm0, $0xb8;
	[tilespmem:$0x18080] =	vst v63  }
0x79: {  	s10 =	rddreg [dreg:$0x1b]  }
0x7a: {  	[hbm4b:s5+s2] =	stream.indirect_vreg.scatter [tilespmem:s10], [sflag:$0x1], $0x80, v3, vm0, $0xb8;
	[tilespmem:$0x18080] =	vst v63  }
0x7b: {  	v3 =	vld [tilespmem:$0x40];
	_ =	sdelay $0x4  }
0x7c: {  	v60 =	vshrl.u32 v3, $0x3  }
0x7d: {  	v4 =	vmul.u32 $0x30, v60  }
0x7e: {  	v3 =	vand.u32 $0x7, v3  }
0x7f: {  	v3 =	vor.u32 v3, v4  }
0x80: {  	v4 =	vperm.xlane v3, v0;
	_ =	sdelay $0x1  }
0x81: {  	v4 =	vadd.s32 v1, v4;
	_ =	sdelay $0x3  }
0x82: {  	s0 =	rddreg [dreg:$0x1c];
	v3 =	vperm.xlane v3, v2  }
0x83: {  	[hbm4b:s3+s2] =	stream.indirect_vreg.scatter [tilespmem:s0], [sflag:$0x1], $0x80, v4, vm0, $0xb8;
	[tilespmem:$0x18080] =	vst v63  }
0x84: {  	s10 =	rddreg [dreg:$0x1d];
	v3 =	vadd.s32 v1, v3  }
0x85: {  	[hbm4b:s4+s2] =	stream.indirect_vreg.scatter [tilespmem:s10], [sflag:$0x1], $0x80, v4, vm0, $0xb8;
	[tilespmem:$0x18080] =	vst v63  }
0x86: {  	s0 =	rddreg [dreg:$0x1e]  }
0x87: {  	[hbm4b:s5+s2] =	stream.indirect_vreg.scatter [tilespmem:s0], [sflag:$0x1], $0x80, v4, vm0, $0xb8;
	[tilespmem:$0x18080] =	vst v63  }
0x88: {  	s10 =	simm.s32 $0xD880  }
0x89: {  	[hbm4b:s3+s2] =	stream.indirect_vreg.scatter [tilespmem:s10], [sflag:$0x1], $0x80, v3, vm0, $0xb8;
	[tilespmem:$0x18080] =	vst v63  }
0x8a: {  	_ = 	snop  }
0x8b: {  	[hbm4b:s4+s2] =	stream.indirect_vreg.scatter [tilespmem:s11], [sflag:$0x1], $0x80, v3, vm0, $0xb8;
	[tilespmem:$0x18080] =	vst v63  }
0x8c: {  	_ = 	snop  }
0x8d: {  	[hbm4b:s5+s2] =	stream.indirect_vreg.scatter [tilespmem:s12], [sflag:$0x1], $0x80, v3, vm0, $0xb8;
	[tilespmem:$0x18080] =	vst v63  }
0x8e: {  	v3 =	vld [tilespmem:$0x50];
	_ =	sdelay $0x4  }
0x8f: {  	v61 =	vshrl.u32 v3, $0x3  }
0x90: {  	v4 =	vmul.u32 $0x30, v61  }
0x91: {  	v3 =	vand.u32 $0x7, v3  }
0x92: {  	v3 =	vor.u32 v3, v4  }
0x93: {  	v4 =	vperm.xlane v3, v0;
	_ =	sdelay $0x1  }
0x94: {  	v4 =	vadd.s32 v1, v4;
	_ =	sdelay $0x3  }
0x95: {  	v3 =	vperm.xlane v3, v2  }
0x96: {  	[hbm4b:s3+s2] =	stream.indirect_vreg.scatter [tilespmem:s13], [sflag:$0x1], $0x80, v4, vm0, $0xb8;
	[tilespmem:$0x18080] =	vst v63  }
0x97: {  	v3 =	vadd.s32 v1, v3  }
0x98: {  	[hbm4b:s4+s2] =	stream.indirect_vreg.scatter [tilespmem:s14], [sflag:$0x1], $0x80, v4, vm0, $0xb8;
	[tilespmem:$0x18080] =	vst v63  }
0x99: {  	_ = 	snop  }
0x9a: {  	[hbm4b:s5+s2] =	stream.indirect_vreg.scatter [tilespmem:s15], [sflag:$0x1], $0x80, v4, vm0, $0xb8;
	[tilespmem:$0x18080] =	vst v63  }
0x9b: {  	_ = 	snop  }
0x9c: {  	[hbm4b:s3+s2] =	stream.indirect_vreg.scatter [tilespmem:s16], [sflag:$0x1], $0x80, v3, vm0, $0xb8;
	[tilespmem:$0x18080] =	vst v63  }
0x9d: {  	_ = 	snop  }
0x9e: {  	[hbm4b:s4+s2] =	stream.indirect_vreg.scatter [tilespmem:s17], [sflag:$0x1], $0x80, v3, vm0, $0xb8;
	[tilespmem:$0x18080] =	vst v63  }
0x9f: {  	_ = 	snop  }
0xa0: {  	[hbm4b:s5+s2] =	stream.indirect_vreg.scatter [tilespmem:s18], [sflag:$0x1], $0x80, v3, vm0, $0xb8;
	[tilespmem:$0x18080] =	vst v63  }
0xa1: {  	v3 =	vld [tilespmem:$0x60];
	_ =	sdelay $0x4  }
0xa2: {  	v62 =	vshrl.u32 v3, $0x3  }
0xa3: {  	v4 =	vmul.u32 $0x30, v62  }
0xa4: {  	v3 =	vand.u32 $0x7, v3  }
0xa5: {  	v3 =	vor.u32 v3, v4  }
0xa6: {  	v4 =	vperm.xlane v3, v0;
	_ =	sdelay $0x1  }
0xa7: {  	v4 =	vadd.s32 v1, v4;
	_ =	sdelay $0x3  }
0xa8: {  	v3 =	vperm.xlane v3, v2  }
0xa9: {  	[hbm4b:s3+s2] =	stream.indirect_vreg.scatter [tilespmem:s19], [sflag:$0x1], $0x80, v4, vm0, $0xb8;
	[tilespmem:$0x18080] =	vst v63  }
0xaa: {  	v3 =	vadd.s32 v1, v3  }
0xab: {  	[hbm4b:s4+s2] =	stream.indirect_vreg.scatter [tilespmem:s20], [sflag:$0x1], $0x80, v4, vm0, $0xb8;
	[tilespmem:$0x18080] =	vst v63  }
0xac: {  	_ = 	snop  }
0xad: {  	[hbm4b:s5+s2] =	stream.indirect_vreg.scatter [tilespmem:s21], [sflag:$0x1], $0x80, v4, vm0, $0xb8;
	[tilespmem:$0x18080] =	vst v63  }
0xae: {  	_ = 	snop  }
0xaf: {  	[hbm4b:s3+s2] =	stream.indirect_vreg.scatter [tilespmem:s22], [sflag:$0x1], $0x80, v3, vm0, $0xb8;
	[tilespmem:$0x18080] =	vst v63  }
0xb0: {  	_ = 	snop  }
0xb1: {  	[hbm4b:s4+s2] =	stream.indirect_vreg.scatter [tilespmem:s23], [sflag:$0x1], $0x80, v3, vm0, $0xb8;
	[tilespmem:$0x18080] =	vst v63  }
0xb2: {  	_ = 	snop  }
0xb3: {  	[hbm4b:s5+s2] =	stream.indirect_vreg.scatter [tilespmem:s24], [sflag:$0x1], $0x80, v3, vm0, $0xb8;
	[tilespmem:$0x18080] =	vst v63  }
0xb4: {  	v3 =	vld [tilespmem:$0x70];
	_ =	sdelay $0x4  }
0xb5: {  	v63 =	vshrl.u32 v3, $0x3  }
0xb6: {  	v4 =	vmul.u32 $0x30, v63  }
0xb7: {  	v3 =	vand.u32 $0x7, v3  }
0xb8: {  	v3 =	vor.u32 v3, v4  }
0xb9: {  	v4 =	vperm.xlane v3, v0;
	_ =	sdelay $0x1  }
0xba: {  	v4 =	vadd.s32 v1, v4;
	_ =	sdelay $0x3  }
0xbb: {  	v3 =	vperm.xlane v3, v2  }
0xbc: {  	[hbm4b:s3+s2] =	stream.indirect_vreg.scatter [tilespmem:s25], [sflag:$0x1], $0x80, v4, vm0, $0xb8;
	[tilespmem:$0x18080] =	vst v63  }
0xbd: {  	v3 =	vadd.s32 v1, v3  }
0xbe: {  	[hbm4b:s4+s2] =	stream.indirect_vreg.scatter [tilespmem:s26], [sflag:$0x1], $0x80, v4, vm0, $0xb8;
	[tilespmem:$0x18080] =	vst v63  }
0xbf: {  	_ = 	snop  }
0xc0: {  	[hbm4b:s5+s2] =	stream.indirect_vreg.scatter [tilespmem:s28], [sflag:$0x1], $0x80, v4, vm0, $0xb8;
	[tilespmem:$0x18080] =	vst v63  }
0xc1: {  	_ = 	snop  }
0xc2: {  	[hbm4b:s3+s2] =	stream.indirect_vreg.scatter [tilespmem:s29], [sflag:$0x1], $0x80, v3, vm0, $0xb8;
	[tilespmem:$0x18080] =	vst v63  }
0xc3: {  	p0 =	sne.s32 s6, $0x1  }
0xc4: {  	[hbm4b:s4+s2] =	stream.indirect_vreg.scatter [tilespmem:s30], [sflag:$0x1], $0x80, v3, vm0, $0xb8;
	[tilespmem:$0x18080] =	vst v63  }
.Ltmp0:
0xc5: {  	_ = 	snop;
	(pc) =	sbr.rel @p0 .LBB2_1-.Ltmp0, $4  }
0xc6: {  	[hbm4b:s5+s2] =	stream.indirect_vreg.scatter [tilespmem:s31], [sflag:$0x1], $0x80, v3, vm0, $0xb8;
	[tilespmem:$0x18080] =	vst v63  }
0xc7: {  	_ =	swait.ge [sflag:s1], $0x18000  }
0xc8: {  	[sflag:s1] =	ssyncset.done $0x0  }
0xc9: {  	s6 =	sadd.s32 $0xFFFFFFFF, s6;
	[sflag:s1] =	ssyncadd.s32 $0xFFFE8000  }
0xca: {  	_ =	sfence.sel $0x180000  }
0xcb: {  	[bflag:$0x0] =	sbarrier.arrive $0xFFFF  }
0xcc: {  	_ =	strace $0x90000047  }
0xcd: {  	s0 =	stileid.u32;
	[bflag:$0x2] =	sbarrier.arrive $0xFFFF  }
0xce: {  	p0 =	sne.s32 s0, $0x0;
	s0 =	rddreg [dreg:$0x2]  }
0xcf: {  	s0 =	sadd.s32 @!p0 $0x100000, s0  }
0xd0: {  	[sflag:s0] =	ssyncadd.tile.s32 @!p0 $0x1;
	_ =	shalt  }
.Lfunc_end2:
_tile_overlayer_lowered:
.L_overlay_start_2:
0xd1: {  	(tag) =	ssettag $0x2  }
0xd2: {  	s0 =	rddreg [dreg:$0x0];
	s2 =	stileid.u32  }
0xd3: {  	s1 =	rddreg [dreg:$0x1];
	p0 =	sne.s32 s2, $0x0  }
0xd4: {  	s3 =	rddreg [dreg:$0x2];
	[bflag:$0x3] =	sbarrier.arrive $0xFFFF;
	s2 =	simm.s32 @!p0 $0x1C03  }
0xd5: {  	[timem:s3], [sflag:s2] =	dma.local @!p0 [hbm:s0], s1  }
0xd6: {  	s0 =	simm.s32 @!p0 $0x3  }
0xd7: {  	_ =	swait.ge @!p0 [sflag:s0], s1  }
0xd8: {  	s1 =	ssub.s32 @!p0 $0x0, s1;
	[sflag:s0] =	ssyncset.done @!p0 $0x0  }
0xd9: {  	[sflag:s0] =	ssyncadd.s32 @!p0 s1  }
0xda: {  	[bflag:$0x3] =	sbarrier.arrive $0xFFFF  }
0xdb: {  	_ =	shalt  }

</sc_bundles>
